<compile_context>
chip_gen: v7x
topology: tpu7x:2x2x1
jax: 0.10.2.dev20260603
libtpu: 0.0.44.dev20260713+nightly
codegen_flags: <defaults>
</compile_context>

<pallas_src>
import functools
import math

import jax
import jax.numpy as jnp
import numpy as np
from jax import lax
from jax.experimental import pallas as pl
from jax.experimental.pallas import tpu as pltpu
from jax.experimental.pallas import tpu_sc as plsc

B = 4
SIZE = 128
PAD = 2
S = SIZE + 2 * PAD
CELLS = B * S * S
NW = 32
CPT = 2304
OUT_CELLS = NW * CPT
GCH = 128
CH = 2048


def _pad1d(a, n, val):
    return jnp.concatenate([a, jnp.full((n - a.shape[0],), val, a.dtype)])


def _stage_a(nvox, nrows):
    mesh = plsc.VectorSubcoreMesh(core_axis_name="c", subcore_axis_name="s")

    @functools.partial(
        pl.kernel,
        mesh=mesh,
        compiler_params=pltpu.CompilerParams(
            needs_layout_passes=False, use_tc_tiling_on_sc=False),
        out_type=jax.ShapeDtypeStruct((OUT_CELLS, 8), jnp.float32),
        scratch_types=[
            pltpu.VMEM((CPT,), jnp.int32),
            pltpu.VMEM((CPT, 8), jnp.float32),
            pltpu.VMEM((CH,), jnp.int32),
            pltpu.VMEM((CH,), jnp.int32),
            pltpu.VMEM((CH,), jnp.int32),
            pltpu.SemaphoreType.DMA,
        ],
    )
    def stage_a(cb_hbm, cx_hbm, cy_hbm, tab_hbm, out_hbm,
                map_v, rows_v, cb_v, cx_v, cy_v, sem):
        wid = lax.axis_index("s") * 2 + lax.axis_index("c")
        lo = wid * CPT
        lane = lax.iota(jnp.int32, 16)

        def init_body(i, _):
            map_v[pl.ds(pl.multiple_of(i * 16, 16), 16)] = jnp.full(
                (16,), -1, jnp.int32)
            return 0
        lax.fori_loop(0, CPT // 16, init_body, 0)

        def chunk_body(k, _):
            off = pl.multiple_of(k * CH, CH)
            pltpu.sync_copy(cb_hbm.at[pl.ds(off, CH)], cb_v)
            pltpu.sync_copy(cx_hbm.at[pl.ds(off, CH)], cx_v)
            pltpu.sync_copy(cy_hbm.at[pl.ds(off, CH)], cy_v)

            def grp_body(g, _):
                goff = pl.ds(pl.multiple_of(g * 16, 16), 16)
                b = cb_v[goff]
                x = cx_v[goff]
                y = cy_v[goff]
                c = b * (S * S) + ((x >> 1) + PAD) * S + ((y >> 1) + PAD)
                val = k * CH + g * 16 + lane
                mine = (c >= lo) & (c < lo + CPT)
                idx = jnp.where(mine, c - lo, 0)
                plsc.store_scatter(map_v, [idx], val, mask=mine)
                for _ in range(3):
                    w = plsc.load_gather(map_v, [idx])
                    redo = mine & (val > w)
                    plsc.store_scatter(map_v, [idx], val, mask=redo)
                return 0
            lax.fori_loop(0, CH // 16, grp_body, 0)
            return 0
        lax.fori_loop(0, nvox // CH, chunk_body, 0)

        def fill_body(i, _):
            ioff = pl.ds(pl.multiple_of(i * 16, 16), 16)
            m = map_v[ioff]
            map_v[ioff] = jnp.where(m < 0, (nrows - 8) + (lane & 7), m)
            return 0
        lax.fori_loop(0, CPT // 16, fill_body, 0)

        copies = []
        for j in range(CPT // GCH):
            copies.append(pltpu.async_copy(
                tab_hbm.at[map_v.at[pl.ds(j * GCH, GCH)]],
                rows_v.at[pl.ds(j * GCH, GCH)], sem))
        for cp in copies:
            cp.wait()
        pltpu.sync_copy(rows_v, out_hbm.at[pl.ds(lo, CPT)])

    return stage_a


def _stencil_body(vcx, vcy, r0, r1, r2, r3, r4, r5, e0, e1):
    def pos(axis):
        n = 4 * lax.broadcasted_iota(jnp.int32, (B, SIZE, SIZE), axis) + 4
        return ((n * 13108) >> 16).astype(jnp.float32)
    px = pos(1)
    py = pos(2)
    acc0 = jnp.zeros((B, SIZE, SIZE), jnp.float32)
    acc1 = jnp.zeros((B, SIZE, SIZE), jnp.float32)
    for dx in range(3):
        for dy in range(3):
            sl = (slice(None), slice(1 + dx, 1 + dx + SIZE),
                  slice(1 + dy, 1 + dy + SIZE))
            vx = (vcx[sl] + 0.5) * 0.4
            vy = (vcy[sl] + 0.5) * 0.4
            d0 = px - vx
            d1 = py - vy
            v00 = jnp.maximum(r2[sl], 0.0) + 0.1
            v01 = jnp.maximum(r3[sl], 0.0) + 0.1
            v10 = jnp.maximum(r4[sl], 0.0) + 0.1
            v11 = jnp.maximum(r5[sl], 0.0) + 0.1
            d0s = d0 * d0
            d1s = d1 * d1
            acc0 += jnp.exp(-0.5 * (d0s / v00 + d1s / v01)) * \
                jnp.maximum(r0[sl], 0.0)
            acc1 += jnp.exp(-0.5 * (d0s / v10 + d1s / v11)) * \
                jnp.maximum(r1[sl], 0.0)
    e0[...] = acc0
    e1[...] = acc1


def _stage_c(qpad):
    qpt = qpad // NW
    mesh = plsc.VectorSubcoreMesh(core_axis_name="c", subcore_axis_name="s")

    @functools.partial(
        pl.kernel,
        mesh=mesh,
        compiler_params=pltpu.CompilerParams(needs_layout_passes=False),
        out_type=[jax.ShapeDtypeStruct((qpad,), jnp.float32),
                  jax.ShapeDtypeStruct((qpad,), jnp.float32)],
        scratch_types=[
            pltpu.VMEM((B * SIZE * SIZE,), jnp.float32),
            pltpu.VMEM((qpt,), jnp.int32),
            pltpu.VMEM((qpt,), jnp.int32),
            pltpu.VMEM((qpt,), jnp.int32),
            pltpu.VMEM((qpt,), jnp.float32),
        ],
    )
    def stage_c(qb_hbm, qx_hbm, qy_hbm, e0_hbm, e1_hbm, o0_hbm, o1_hbm,
                ev, qb_v, qx_v, qy_v, ov):
        wid = lax.axis_index("s") * 2 + lax.axis_index("c")
        qlo = wid * qpt
        pltpu.sync_copy(qb_hbm.at[pl.ds(qlo, qpt)], qb_v)
        pltpu.sync_copy(qx_hbm.at[pl.ds(qlo, qpt)], qx_v)
        pltpu.sync_copy(qy_hbm.at[pl.ds(qlo, qpt)], qy_v)

        def one_channel(e_hbm, o_hbm):
            pltpu.sync_copy(e_hbm, ev)

            def body(g, _):
                goff = pl.ds(pl.multiple_of(g * 16, 16), 16)
                b = qb_v[goff]
                x = qx_v[goff]
                y = qy_v[goff]
                cx = (5 * x) >> 2
                cy = (5 * y) >> 2
                idx = b * (SIZE * SIZE) + cx * SIZE + cy
                ov[goff] = plsc.load_gather(ev, [idx])
                return 0
            lax.fori_loop(0, qpt // 16, body, 0)
            pltpu.sync_copy(ov, o_hbm.at[pl.ds(qlo, qpt)])

        one_channel(e0_hbm, o0_hbm)
        one_channel(e1_hbm, o1_hbm)

    return stage_c


def kernel(ref_pts, ctr_coor, ctr_reg):
    nq = ref_pts.shape[0]
    nv = ctr_coor.shape[0]
    nvox = ((nv + CH - 1) // CH) * CH
    qpt = ((nq + NW - 1) // NW + 15) // 16 * 16
    qpad = qpt * NW
    nrows = nv + 8

    cb = _pad1d(ctr_coor[:, 0], nvox, B)
    cx = _pad1d(ctr_coor[:, 1], nvox, 0)
    cy = _pad1d(ctr_coor[:, 2], nvox, 0)
    sent = jnp.tile(jnp.array([[0., 0., -1., -1., -1., -1., -1., -1.]],
                              jnp.float32), (8, 1))
    tab = jnp.concatenate(
        [jnp.concatenate([ctr_coor[:, 1:3].astype(jnp.float32), ctr_reg],
                         axis=1), sent], axis=0)

    gath = _stage_a(nvox, nrows)(cb, cx, cy, tab)
    planes = gath[:CELLS].T.reshape(8, B, S, S)

    e0, e1 = pl.pallas_call(
        _stencil_body,
        out_shape=[jax.ShapeDtypeStruct((B, SIZE, SIZE), jnp.float32)] * 2,
    )(*[planes[i] for i in range(8)])

    qb = _pad1d(ref_pts[:, 0], qpad, 0)
    qx = _pad1d(ref_pts[:, 1], qpad, 0)
    qy = _pad1d(ref_pts[:, 2], qpad, 0)
    o0, o1 = _stage_c(qpad)(qb, qx, qy, e0.reshape(-1), e1.reshape(-1))
    return jnp.stack([o0[:nq], o1[:nq]], axis=1)

# --- scband reference (transcript-rebuilt; emitter-appended) ---
"""Pipeline reference for scband-gev-bevdecoder-87454124081820 (READ-ONLY COPY).

The authoritative reference and input builder live on the scoring server;
editing this copy changes nothing except your own understanding.
"""

import jax, jax.numpy as jnp
import numpy as np

# Config derived from init_kwargs:
#   lidar_range=[0,0,-3,102.4,102.4,1], voxel_size=[0.4,0.4], stride=2
#   => res=0.8, offset_sz_x=offset_sz_y=0, size_x=size_y=128
B = 4
Q = 200000
V = 60000
D = 6
SIZE = 128
STRIDE = 2
VOX = 0.4
PAD = 2
KERNEL = 3
VAR0 = 0.1


def setup_inputs(seed: int = 0) -> dict:
    key = jax.random.key(seed)
    k1, k2, k3, k4, k5 = jax.random.split(key, 5)
    # ref_pts: (batch_idx, x, y) with x,y integer metric coords in [0, 102)
    ref_b = jax.random.randint(k1, (Q, 1), 0, B)
    ref_xy = jax.random.randint(k2, (Q, 2), 0, 102)
    ref_pts = jnp.concatenate([ref_b, ref_xy], axis=1).astype(jnp.int32)
    # ctr_coor: (batch_idx, x, y) voxel indices in [0, size*stride)
    ctr_b = jax.random.randint(k3, (V, 1), 0, B)
    ctr_xy = jax.random.randint(k4, (V, 2), 0, SIZE * STRIDE)
    ctr_coor = jnp.concatenate([ctr_b, ctr_xy], axis=1).astype(jnp.int32)
    ctr_reg = jax.random.normal(k5, (V, D), dtype=jnp.float32)
    return {"ref_pts": ref_pts, "ctr_coor": ctr_coor, "ctr_reg": ctr_reg}


def _nbrs():
    x = jnp.arange(KERNEL) - KERNEL // 2
    return jnp.stack(jnp.meshgrid(x, x, indexing='ij'), axis=-1).reshape(-1, 2)


def reference(ref_pts, ctr_coor, ctr_reg):
    nbrs = _nbrs()
    n_nbrs = nbrs.shape[0]
    reg = jax.nn.relu(ctr_reg)
    reg_evi = reg[:, :2]                       # (V, 2)
    reg_var = reg[:, 2:].reshape(-1, 2, 2)     # (V, 2, 2)
    # indices2metric: voxel index -> metric center
    ctr_pts_xy = (ctr_coor[:, 1:3].astype(jnp.float32) + 0.5) * VOX
    # coor_to_indices (offset == 0 for this lidar_range)
    ctr_inds = jnp.concatenate([ctr_coor[:, :1], ctr_coor[:, 1:3] // STRIDE], axis=1)
    # metric2indices then coor_to_indices for queries
    ref_coor_xy = jnp.floor(ref_pts[:, 1:3].astype(jnp.float32) / VOX).astype(jnp.int32)
    ref_inds = jnp.concatenate([ref_pts[:, :1], ref_coor_xy // STRIDE], axis=1)
    # --- get_nbr_mapping ---
    q_pos = ref_inds.at[:, 1:].add(PAD)
    v_pos = ctr_inds.at[:, 1:].add(PAD)
    S = SIZE + 2 * PAD
    value_map = -jnp.ones((B, S, S), dtype=jnp.int32)
    value_map = value_map.at[v_pos[:, 0], v_pos[:, 1], v_pos[:, 2]].set(
        jnp.arange(v_pos.shape[0], dtype=jnp.int32))
    qn = jnp.repeat(q_pos[:, None, :], n_nbrs, axis=1)
    qn = qn.at[:, :, 1:].add(nbrs[None, :, :]).reshape(-1, 3)
    q_inds = jnp.repeat(jnp.arange(q_pos.shape[0], dtype=jnp.int32)[:, None], n_nbrs, axis=1).reshape(-1)
    v_inds = value_map[qn[:, 0], qn[:, 1], qn[:, 2]]
    mask = (q_inds >= 0) & (v_inds >= 0)
    v_safe = jnp.where(mask, v_inds, 0)
    q_safe = jnp.where(mask, q_inds, 0)
    # --- weighted mahalanobis dists ---
    dists = ref_pts[q_safe, 1:3].astype(jnp.float32) - ctr_pts_xy[v_safe]   # (P, 2)
    evi = reg_evi[v_safe]                                                    # (P, 2)
    var = reg_var[v_safe] + jnp.array([VAR0, VAR0], dtype=jnp.float32).reshape(1, 1, 2)  # (P, 2, 2)
    log_probs = -0.5 * jnp.sum(dists[:, None, :] ** 2 / var, axis=-1)        # (P, 2)
    probs_weighted = jnp.exp(log_probs) * evi                                # (P, 2)
    probs_weighted = jnp.where(mask[:, None], probs_weighted, 0.0)
    # scatter-add into per-query evidence
    evidence = jnp.zeros((ref_pts.shape[0], 2), dtype=jnp.float32).at[q_safe].add(probs_weighted)
    return evidence

if __name__ == "__main__":
    import jax
    _d = setup_inputs()
    print(jax.jit(kernel)(*tuple(_d.values())))

</pallas_src>

<mosaic_0001>
#map = affine_map<(d0, d1) -> (0)>
module attributes {stable_mosaic.version = 14 : i64} {
  func.func @stage_c(%arg0: i32, %arg1: i32, %arg2: memref<200192xi32, #tpu.memory_space<hbm>>, %arg3: memref<200192xi32, #tpu.memory_space<hbm>>, %arg4: memref<200192xi32, #tpu.memory_space<hbm>>, %arg5: memref<65536xf32, #tpu.memory_space<hbm>>, %arg6: memref<65536xf32, #tpu.memory_space<hbm>>, %arg7: memref<200192xf32, #tpu.memory_space<hbm>>, %arg8: memref<200192xf32, #tpu.memory_space<hbm>>, %arg9: memref<65536xf32, #tpu.memory_space<vmem>>, %arg10: memref<6256xi32, #tpu.memory_space<vmem>>, %arg11: memref<6256xi32, #tpu.memory_space<vmem>>, %arg12: memref<6256xi32, #tpu.memory_space<vmem>>, %arg13: memref<6256xf32, #tpu.memory_space<vmem>>) attributes {dimension_semantics = [#tpu.dimension_semantics<core_parallel>, #tpu.dimension_semantics<subcore_parallel>], iteration_bounds = array<i64: 2, 16>, scalar_prefetch = 0 : i64, scratch_operands = 5 : i64, tpu.core_type = #tpu.core_type<sc_vector_subcore>, window_params = [{transform_indices = #map}, {transform_indices = #map}, {transform_indices = #map}, {transform_indices = #map}, {transform_indices = #map}, {transform_indices = #map}, {transform_indices = #map}]} {
    %mul3A = arith.constant 2 : i32
    %mul3A_0 = arith.muli %arg1, %mul3A : i32
    %add3A = arith.addi %mul3A_0, %arg0 : i32
    %mul3A_1 = arith.constant 6256 : i32
    %mul3A_2 = arith.muli %add3A, %mul3A_1 : i32
    "tpu.region"() ({
      %run_scoped3A = tpu.sem_alloc : memref<!tpu.dma_semaphore, #tpu.memory_space<semaphore_mem>>
      %dma_start3A = tpu.memref_slice %arg2[%mul3A_2] : memref<200192xi32, #tpu.memory_space<hbm>> -> memref<6256xi32, #tpu.memory_space<hbm>>
      %dma_start3A_16 = tpu.memref_slice %arg2[%mul3A_2] : memref<200192xi32, #tpu.memory_space<hbm>> -> memref<6256xi32, #tpu.memory_space<hbm>>
      tpu.enqueue_dma source(%dma_start3A_16 : memref<6256xi32, #tpu.memory_space<hbm>>) target(%arg10 : memref<6256xi32, #tpu.memory_space<vmem>>) target_semaphore(%run_scoped3A : memref<!tpu.dma_semaphore, #tpu.memory_space<semaphore_mem>>)
      %dma_wait3A = tpu.memref_slice %arg2[%mul3A_2] : memref<200192xi32, #tpu.memory_space<hbm>> -> memref<6256xi32, #tpu.memory_space<hbm>>
      %dma_wait3A_17 = tpu.memref_slice %arg2[%mul3A_2] : memref<200192xi32, #tpu.memory_space<hbm>> -> memref<6256xi32, #tpu.memory_space<hbm>>
      tpu.wait_dma2 semaphore(%run_scoped3A : memref<!tpu.dma_semaphore, #tpu.memory_space<semaphore_mem>>) src(%dma_wait3A_17 : memref<6256xi32, #tpu.memory_space<hbm>>) dst(%arg10 : memref<6256xi32, #tpu.memory_space<vmem>>)
      tpu.yield
    }) : () -> ()
    "tpu.region"() ({
      %run_scoped3A = tpu.sem_alloc : memref<!tpu.dma_semaphore, #tpu.memory_space<semaphore_mem>>
      %dma_start3A = tpu.memref_slice %arg3[%mul3A_2] : memref<200192xi32, #tpu.memory_space<hbm>> -> memref<6256xi32, #tpu.memory_space<hbm>>
      %dma_start3A_16 = tpu.memref_slice %arg3[%mul3A_2] : memref<200192xi32, #tpu.memory_space<hbm>> -> memref<6256xi32, #tpu.memory_space<hbm>>
      tpu.enqueue_dma source(%dma_start3A_16 : memref<6256xi32, #tpu.memory_space<hbm>>) target(%arg11 : memref<6256xi32, #tpu.memory_space<vmem>>) target_semaphore(%run_scoped3A : memref<!tpu.dma_semaphore, #tpu.memory_space<semaphore_mem>>)
      %dma_wait3A = tpu.memref_slice %arg3[%mul3A_2] : memref<200192xi32, #tpu.memory_space<hbm>> -> memref<6256xi32, #tpu.memory_space<hbm>>
      %dma_wait3A_17 = tpu.memref_slice %arg3[%mul3A_2] : memref<200192xi32, #tpu.memory_space<hbm>> -> memref<6256xi32, #tpu.memory_space<hbm>>
      tpu.wait_dma2 semaphore(%run_scoped3A : memref<!tpu.dma_semaphore, #tpu.memory_space<semaphore_mem>>) src(%dma_wait3A_17 : memref<6256xi32, #tpu.memory_space<hbm>>) dst(%arg11 : memref<6256xi32, #tpu.memory_space<vmem>>)
      tpu.yield
    }) : () -> ()
    "tpu.region"() ({
      %run_scoped3A = tpu.sem_alloc : memref<!tpu.dma_semaphore, #tpu.memory_space<semaphore_mem>>
      %dma_start3A = tpu.memref_slice %arg4[%mul3A_2] : memref<200192xi32, #tpu.memory_space<hbm>> -> memref<6256xi32, #tpu.memory_space<hbm>>
      %dma_start3A_16 = tpu.memref_slice %arg4[%mul3A_2] : memref<200192xi32, #tpu.memory_space<hbm>> -> memref<6256xi32, #tpu.memory_space<hbm>>
      tpu.enqueue_dma source(%dma_start3A_16 : memref<6256xi32, #tpu.memory_space<hbm>>) target(%arg12 : memref<6256xi32, #tpu.memory_space<vmem>>) target_semaphore(%run_scoped3A : memref<!tpu.dma_semaphore, #tpu.memory_space<semaphore_mem>>)
      %dma_wait3A = tpu.memref_slice %arg4[%mul3A_2] : memref<200192xi32, #tpu.memory_space<hbm>> -> memref<6256xi32, #tpu.memory_space<hbm>>
      %dma_wait3A_17 = tpu.memref_slice %arg4[%mul3A_2] : memref<200192xi32, #tpu.memory_space<hbm>> -> memref<6256xi32, #tpu.memory_space<hbm>>
      tpu.wait_dma2 semaphore(%run_scoped3A : memref<!tpu.dma_semaphore, #tpu.memory_space<semaphore_mem>>) src(%dma_wait3A_17 : memref<6256xi32, #tpu.memory_space<hbm>>) dst(%arg12 : memref<6256xi32, #tpu.memory_space<vmem>>)
      tpu.yield
    }) : () -> ()
    "tpu.region"() ({
      %run_scoped3A = tpu.sem_alloc : memref<!tpu.dma_semaphore, #tpu.memory_space<semaphore_mem>>
      tpu.enqueue_dma source(%arg5 : memref<65536xf32, #tpu.memory_space<hbm>>) target(%arg9 : memref<65536xf32, #tpu.memory_space<vmem>>) target_semaphore(%run_scoped3A : memref<!tpu.dma_semaphore, #tpu.memory_space<semaphore_mem>>)
      tpu.wait_dma2 semaphore(%run_scoped3A : memref<!tpu.dma_semaphore, #tpu.memory_space<semaphore_mem>>) src(%arg5 : memref<65536xf32, #tpu.memory_space<hbm>>) dst(%arg9 : memref<65536xf32, #tpu.memory_space<vmem>>)
      tpu.yield
    }) : () -> ()
    %scan3A = arith.constant 0 : i32
    %scan3A_3 = arith.constant 0 : i32
    %scan3A_4 = arith.constant 391 : i32
    %scan3A_5 = arith.addi %scan3A_3, %scan3A_4 : i32
    %scan3A_6 = arith.constant 1 : i32
    %scan3A_7 = scf.for %scan3A_16 = %scan3A_3 to %scan3A_5 step %scan3A_6 iter_args(%scan3A_17 = %scan3A) -> (i32)  : i32 {
      %mul3A_18 = arith.constant 16 : i32
      %mul3A_19 = arith.muli %scan3A_16, %mul3A_18 : i32
      %multiple_of3A = tpu.assume_multiple %mul3A_19, 16 : i32
      %get3A = arith.index_cast %multiple_of3A : i32 to index
      %get3A_20 = tpu.vector_load %arg10[%get3A] {strides = array<i32>} : memref<6256xi32, #tpu.memory_space<vmem>>, vector<16xi32>,
      %get3A_21 = arith.index_cast %multiple_of3A : i32 to index
      %get3A_22 = tpu.vector_load %arg11[%get3A_21] {strides = array<i32>} : memref<6256xi32, #tpu.memory_space<vmem>>, vector<16xi32>,
      %get3A_23 = arith.index_cast %multiple_of3A : i32 to index
      %get3A_24 = tpu.vector_load %arg12[%get3A_23] {strides = array<i32>} : memref<6256xi32, #tpu.memory_space<vmem>>, vector<16xi32>,
      %mul3A_25 = arith.constant 5 : i32
      %mul3A_26 = vector.broadcast %mul3A_25 : i32 to vector<16xi32>
      %mul3A_27 = arith.muli %mul3A_26, %get3A_22 : vector<16xi32>
      %shift_right_arithmetic3A = arith.constant 2 : i32
      %shift_right_arithmetic3A_28 = vector.broadcast %shift_right_arithmetic3A : i32 to vector<16xi32>
      %shift_right_arithmetic3A_29 = arith.shrsi %mul3A_27, %shift_right_arithmetic3A_28 : vector<16xi32>
      %mul3A_30 = arith.constant 5 : i32
      %mul3A_31 = vector.broadcast %mul3A_30 : i32 to vector<16xi32>
      %mul3A_32 = arith.muli %mul3A_31, %get3A_24 : vector<16xi32>
      %shift_right_arithmetic3A_33 = arith.constant 2 : i32
      %shift_right_arithmetic3A_34 = vector.broadcast %shift_right_arithmetic3A_33 : i32 to vector<16xi32>
      %shift_right_arithmetic3A_35 = arith.shrsi %mul3A_32, %shift_right_arithmetic3A_34 : vector<16xi32>
      %mul3A_36 = arith.constant 16384 : i32
      %mul3A_37 = vector.broadcast %mul3A_36 : i32 to vector<16xi32>
      %mul3A_38 = arith.muli %get3A_20, %mul3A_37 : vector<16xi32>
      %mul3A_39 = arith.constant 128 : i32
      %mul3A_40 = vector.broadcast %mul3A_39 : i32 to vector<16xi32>
      %mul3A_41 = arith.muli %shift_right_arithmetic3A_29, %mul3A_40 : vector<16xi32>
      %add3A_42 = arith.addi %mul3A_38, %mul3A_41 : vector<16xi32>
      %add3A_43 = arith.addi %add3A_42, %shift_right_arithmetic3A_35 : vector<16xi32>
      %gather3A = tpu.vector_load_idx %arg9[%add3A_43] : memref<65536xf32, #tpu.memory_space<vmem>>[vector<16xi32>], vector<16xf32>,
      %swap3A = arith.index_cast %multiple_of3A : i32 to index
      %swap3A_44 = tpu.vector_load %arg13[%swap3A] {strides = array<i32>} : memref<6256xf32, #tpu.memory_space<vmem>>, vector<16xf32>,
      tpu.vector_store %arg13[%swap3A], %gather3A {strides = array<i32>} : memref<6256xf32, #tpu.memory_space<vmem>>, vector<16xf32>,
      %scan3A_45 = arith.constant 0 : i32
      scf.yield %scan3A_45 : i32
    }
    %scan3A_8 = arith.constant 391 : i32
    "tpu.region"() ({
      %run_scoped3A = tpu.sem_alloc : memref<!tpu.dma_semaphore, #tpu.memory_space<semaphore_mem>>
      %dma_start3A = tpu.memref_slice %arg7[%mul3A_2] : memref<200192xf32, #tpu.memory_space<hbm>> -> memref<6256xf32, #tpu.memory_space<hbm>>
      %dma_start3A_16 = tpu.memref_slice %arg7[%mul3A_2] : memref<200192xf32, #tpu.memory_space<hbm>> -> memref<6256xf32, #tpu.memory_space<hbm>>
      tpu.enqueue_dma source(%arg13 : memref<6256xf32, #tpu.memory_space<vmem>>) target(%dma_start3A_16 : memref<6256xf32, #tpu.memory_space<hbm>>) target_semaphore(%run_scoped3A : memref<!tpu.dma_semaphore, #tpu.memory_space<semaphore_mem>>)
      %dma_wait3A = tpu.memref_slice %arg7[%mul3A_2] : memref<200192xf32, #tpu.memory_space<hbm>> -> memref<6256xf32, #tpu.memory_space<hbm>>
      %dma_wait3A_17 = tpu.memref_slice %arg7[%mul3A_2] : memref<200192xf32, #tpu.memory_space<hbm>> -> memref<6256xf32, #tpu.memory_space<hbm>>
      tpu.wait_dma2 semaphore(%run_scoped3A : memref<!tpu.dma_semaphore, #tpu.memory_space<semaphore_mem>>) src(%arg13 : memref<6256xf32, #tpu.memory_space<vmem>>) dst(%dma_wait3A_17 : memref<6256xf32, #tpu.memory_space<hbm>>)
      tpu.yield
    }) : () -> ()
    "tpu.region"() ({
      %run_scoped3A = tpu.sem_alloc : memref<!tpu.dma_semaphore, #tpu.memory_space<semaphore_mem>>
      tpu.enqueue_dma source(%arg6 : memref<65536xf32, #tpu.memory_space<hbm>>) target(%arg9 : memref<65536xf32, #tpu.memory_space<vmem>>) target_semaphore(%run_scoped3A : memref<!tpu.dma_semaphore, #tpu.memory_space<semaphore_mem>>)
      tpu.wait_dma2 semaphore(%run_scoped3A : memref<!tpu.dma_semaphore, #tpu.memory_space<semaphore_mem>>) src(%arg6 : memref<65536xf32, #tpu.memory_space<hbm>>) dst(%arg9 : memref<65536xf32, #tpu.memory_space<vmem>>)
      tpu.yield
    }) : () -> ()
    %scan3A_9 = arith.constant 0 : i32
    %scan3A_10 = arith.constant 0 : i32
    %scan3A_11 = arith.constant 391 : i32
    %scan3A_12 = arith.addi %scan3A_10, %scan3A_11 : i32
    %scan3A_13 = arith.constant 1 : i32
    %scan3A_14 = scf.for %scan3A_16 = %scan3A_10 to %scan3A_12 step %scan3A_13 iter_args(%scan3A_17 = %scan3A_9) -> (i32)  : i32 {
      %mul3A_18 = arith.constant 16 : i32
      %mul3A_19 = arith.muli %scan3A_16, %mul3A_18 : i32
      %multiple_of3A = tpu.assume_multiple %mul3A_19, 16 : i32
      %get3A = arith.index_cast %multiple_of3A : i32 to index
      %get3A_20 = tpu.vector_load %arg10[%get3A] {strides = array<i32>} : memref<6256xi32, #tpu.memory_space<vmem>>, vector<16xi32>,
      %get3A_21 = arith.index_cast %multiple_of3A : i32 to index
      %get3A_22 = tpu.vector_load %arg11[%get3A_21] {strides = array<i32>} : memref<6256xi32, #tpu.memory_space<vmem>>, vector<16xi32>,
      %get3A_23 = arith.index_cast %multiple_of3A : i32 to index
      %get3A_24 = tpu.vector_load %arg12[%get3A_23] {strides = array<i32>} : memref<6256xi32, #tpu.memory_space<vmem>>, vector<16xi32>,
      %mul3A_25 = arith.constant 5 : i32
      %mul3A_26 = vector.broadcast %mul3A_25 : i32 to vector<16xi32>
      %mul3A_27 = arith.muli %mul3A_26, %get3A_22 : vector<16xi32>
      %shift_right_arithmetic3A = arith.constant 2 : i32
      %shift_right_arithmetic3A_28 = vector.broadcast %shift_right_arithmetic3A : i32 to vector<16xi32>
      %shift_right_arithmetic3A_29 = arith.shrsi %mul3A_27, %shift_right_arithmetic3A_28 : vector<16xi32>
      %mul3A_30 = arith.constant 5 : i32
      %mul3A_31 = vector.broadcast %mul3A_30 : i32 to vector<16xi32>
      %mul3A_32 = arith.muli %mul3A_31, %get3A_24 : vector<16xi32>
      %shift_right_arithmetic3A_33 = arith.constant 2 : i32
      %shift_right_arithmetic3A_34 = vector.broadcast %shift_right_arithmetic3A_33 : i32 to vector<16xi32>
      %shift_right_arithmetic3A_35 = arith.shrsi %mul3A_32, %shift_right_arithmetic3A_34 : vector<16xi32>
      %mul3A_36 = arith.constant 16384 : i32
      %mul3A_37 = vector.broadcast %mul3A_36 : i32 to vector<16xi32>
      %mul3A_38 = arith.muli %get3A_20, %mul3A_37 : vector<16xi32>
      %mul3A_39 = arith.constant 128 : i32
      %mul3A_40 = vector.broadcast %mul3A_39 : i32 to vector<16xi32>
      %mul3A_41 = arith.muli %shift_right_arithmetic3A_29, %mul3A_40 : vector<16xi32>
      %add3A_42 = arith.addi %mul3A_38, %mul3A_41 : vector<16xi32>
      %add3A_43 = arith.addi %add3A_42, %shift_right_arithmetic3A_35 : vector<16xi32>
      %gather3A = tpu.vector_load_idx %arg9[%add3A_43] : memref<65536xf32, #tpu.memory_space<vmem>>[vector<16xi32>], vector<16xf32>,
      %swap3A = arith.index_cast %multiple_of3A : i32 to index
      %swap3A_44 = tpu.vector_load %arg13[%swap3A] {strides = array<i32>} : memref<6256xf32, #tpu.memory_space<vmem>>, vector<16xf32>,
      tpu.vector_store %arg13[%swap3A], %gather3A {strides = array<i32>} : memref<6256xf32, #tpu.memory_space<vmem>>, vector<16xf32>,
      %scan3A_45 = arith.constant 0 : i32
      scf.yield %scan3A_45 : i32
    }
    %scan3A_15 = arith.constant 391 : i32
    "tpu.region"() ({
      %run_scoped3A = tpu.sem_alloc : memref<!tpu.dma_semaphore, #tpu.memory_space<semaphore_mem>>
      %dma_start3A = tpu.memref_slice %arg8[%mul3A_2] : memref<200192xf32, #tpu.memory_space<hbm>> -> memref<6256xf32, #tpu.memory_space<hbm>>
      %dma_start3A_16 = tpu.memref_slice %arg8[%mul3A_2] : memref<200192xf32, #tpu.memory_space<hbm>> -> memref<6256xf32, #tpu.memory_space<hbm>>
      tpu.enqueue_dma source(%arg13 : memref<6256xf32, #tpu.memory_space<vmem>>) target(%dma_start3A_16 : memref<6256xf32, #tpu.memory_space<hbm>>) target_semaphore(%run_scoped3A : memref<!tpu.dma_semaphore, #tpu.memory_space<semaphore_mem>>)
      %dma_wait3A = tpu.memref_slice %arg8[%mul3A_2] : memref<200192xf32, #tpu.memory_space<hbm>> -> memref<6256xf32, #tpu.memory_space<hbm>>
      %dma_wait3A_17 = tpu.memref_slice %arg8[%mul3A_2] : memref<200192xf32, #tpu.memory_space<hbm>> -> memref<6256xf32, #tpu.memory_space<hbm>>
      tpu.wait_dma2 semaphore(%run_scoped3A : memref<!tpu.dma_semaphore, #tpu.memory_space<semaphore_mem>>) src(%arg13 : memref<6256xf32, #tpu.memory_space<vmem>>) dst(%dma_wait3A_17 : memref<6256xf32, #tpu.memory_space<hbm>>)
      tpu.yield
    }) : () -> ()
    return
  }
}

#map = affine_map<(d0, d1) -> (0)>
#map1 = affine_map<(d0, d1) -> (0, 0)>
module attributes {stable_mosaic.version = 14 : i64} {
  func.func @stage_a(%arg0: i32, %arg1: i32, %arg2: memref<61440xi32, #tpu.memory_space<hbm>>, %arg3: memref<61440xi32, #tpu.memory_space<hbm>>, %arg4: memref<61440xi32, #tpu.memory_space<hbm>>, %arg5: memref<60008x8xf32, #tpu.memory_space<hbm>>, %arg6: memref<73728x8xf32, #tpu.memory_space<hbm>>, %arg7: memref<2304xi32, #tpu.memory_space<vmem>>, %arg8: memref<2304x8xf32, #tpu.memory_space<vmem>>, %arg9: memref<2048xi32, #tpu.memory_space<vmem>>, %arg10: memref<2048xi32, #tpu.memory_space<vmem>>, %arg11: memref<2048xi32, #tpu.memory_space<vmem>>, %arg12: memref<!tpu.dma_semaphore, #tpu.memory_space<semaphore_mem>>) attributes {dimension_semantics = [#tpu.dimension_semantics<core_parallel>, #tpu.dimension_semantics<subcore_parallel>], iteration_bounds = array<i64: 2, 16>, scalar_prefetch = 0 : i64, scratch_operands = 6 : i64, tpu.core_type = #tpu.core_type<sc_vector_subcore>, window_params = [{transform_indices = #map}, {transform_indices = #map}, {transform_indices = #map}, {transform_indices = #map1}, {transform_indices = #map1}]} {
    %mul3A = arith.constant 2 : i32
    %mul3A_0 = arith.muli %arg1, %mul3A : i32
    %add3A = arith.addi %mul3A_0, %arg0 : i32
    %mul3A_1 = arith.constant 2304 : i32
    %mul3A_2 = arith.muli %add3A, %mul3A_1 : i32
    %iota3A = tpu.iota {dimensions = array<i32: 0>} : vector<16xi32>
    %scan3A = arith.constant 0 : i32
    %scan3A_3 = arith.constant 0 : i32
    %scan3A_4 = arith.constant 144 : i32
    %scan3A_5 = arith.addi %scan3A_3, %scan3A_4 : i32
    %scan3A_6 = arith.constant 1 : i32
    %scan3A_7 = scf.for %scan3A_309 = %scan3A_3 to %scan3A_5 step %scan3A_6 iter_args(%scan3A_310 = %scan3A) -> (i32)  : i32 {
      %broadcast_in_dim3A = arith.constant -1 : i32
      %broadcast_in_dim3A_311 = vector.broadcast %broadcast_in_dim3A : i32 to vector<16xi32>
      %mul3A_312 = arith.constant 16 : i32
      %mul3A_313 = arith.muli %scan3A_309, %mul3A_312 : i32
      %multiple_of3A = tpu.assume_multiple %mul3A_313, 16 : i32
      %swap3A = arith.index_cast %multiple_of3A : i32 to index
      %swap3A_314 = tpu.vector_load %arg7[%swap3A] {strides = array<i32>} : memref<2304xi32, #tpu.memory_space<vmem>>, vector<16xi32>,
      tpu.vector_store %arg7[%swap3A], %broadcast_in_dim3A_311 {strides = array<i32>} : memref<2304xi32, #tpu.memory_space<vmem>>, vector<16xi32>,
      %scan3A_315 = arith.constant 0 : i32
      scf.yield %scan3A_315 : i32
    }
    %scan3A_8 = arith.constant 144 : i32
    %scan3A_9 = arith.constant 0 : i32
    %scan3A_10 = arith.constant 0 : i32
    %scan3A_11 = arith.constant 30 : i32
    %scan3A_12 = arith.addi %scan3A_10, %scan3A_11 : i32
    %scan3A_13 = arith.constant 1 : i32
    %scan3A_14 = scf.for %scan3A_309 = %scan3A_10 to %scan3A_12 step %scan3A_13 iter_args(%scan3A_310 = %scan3A_9) -> (i32)  : i32 {
      %mul3A_311 = arith.constant 2048 : i32
      %mul3A_312 = arith.muli %scan3A_309, %mul3A_311 : i32
      %multiple_of3A = tpu.assume_multiple %mul3A_312, 2048 : i32
      "tpu.region"() ({
        %run_scoped3A = tpu.sem_alloc : memref<!tpu.dma_semaphore, #tpu.memory_space<semaphore_mem>>
        %dma_start3A_321 = tpu.memref_slice %arg2[%multiple_of3A] : memref<61440xi32, #tpu.memory_space<hbm>> -> memref<2048xi32, #tpu.memory_space<hbm>>
        %dma_start3A_322 = tpu.memref_slice %arg2[%multiple_of3A] : memref<61440xi32, #tpu.memory_space<hbm>> -> memref<2048xi32, #tpu.memory_space<hbm>>
        tpu.enqueue_dma source(%dma_start3A_322 : memref<2048xi32, #tpu.memory_space<hbm>>) target(%arg9 : memref<2048xi32, #tpu.memory_space<vmem>>) target_semaphore(%run_scoped3A : memref<!tpu.dma_semaphore, #tpu.memory_space<semaphore_mem>>)
        %dma_wait3A_323 = tpu.memref_slice %arg2[%multiple_of3A] : memref<61440xi32, #tpu.memory_space<hbm>> -> memref<2048xi32, #tpu.memory_space<hbm>>
        %dma_wait3A_324 = tpu.memref_slice %arg2[%multiple_of3A] : memref<61440xi32, #tpu.memory_space<hbm>> -> memref<2048xi32, #tpu.memory_space<hbm>>
        tpu.wait_dma2 semaphore(%run_scoped3A : memref<!tpu.dma_semaphore, #tpu.memory_space<semaphore_mem>>) src(%dma_wait3A_324 : memref<2048xi32, #tpu.memory_space<hbm>>) dst(%arg9 : memref<2048xi32, #tpu.memory_space<vmem>>)
        tpu.yield
      }) : () -> ()
      "tpu.region"() ({
        %run_scoped3A = tpu.sem_alloc : memref<!tpu.dma_semaphore, #tpu.memory_space<semaphore_mem>>
        %dma_start3A_321 = tpu.memref_slice %arg3[%multiple_of3A] : memref<61440xi32, #tpu.memory_space<hbm>> -> memref<2048xi32, #tpu.memory_space<hbm>>
        %dma_start3A_322 = tpu.memref_slice %arg3[%multiple_of3A] : memref<61440xi32, #tpu.memory_space<hbm>> -> memref<2048xi32, #tpu.memory_space<hbm>>
        tpu.enqueue_dma source(%dma_start3A_322 : memref<2048xi32, #tpu.memory_space<hbm>>) target(%arg10 : memref<2048xi32, #tpu.memory_space<vmem>>) target_semaphore(%run_scoped3A : memref<!tpu.dma_semaphore, #tpu.memory_space<semaphore_mem>>)
        %dma_wait3A_323 = tpu.memref_slice %arg3[%multiple_of3A] : memref<61440xi32, #tpu.memory_space<hbm>> -> memref<2048xi32, #tpu.memory_space<hbm>>
        %dma_wait3A_324 = tpu.memref_slice %arg3[%multiple_of3A] : memref<61440xi32, #tpu.memory_space<hbm>> -> memref<2048xi32, #tpu.memory_space<hbm>>
        tpu.wait_dma2 semaphore(%run_scoped3A : memref<!tpu.dma_semaphore, #tpu.memory_space<semaphore_mem>>) src(%dma_wait3A_324 : memref<2048xi32, #tpu.memory_space<hbm>>) dst(%arg10 : memref<2048xi32, #tpu.memory_space<vmem>>)
        tpu.yield
      }) : () -> ()
      "tpu.region"() ({
        %run_scoped3A = tpu.sem_alloc : memref<!tpu.dma_semaphore, #tpu.memory_space<semaphore_mem>>
        %dma_start3A_321 = tpu.memref_slice %arg4[%multiple_of3A] : memref<61440xi32, #tpu.memory_space<hbm>> -> memref<2048xi32, #tpu.memory_space<hbm>>
        %dma_start3A_322 = tpu.memref_slice %arg4[%multiple_of3A] : memref<61440xi32, #tpu.memory_space<hbm>> -> memref<2048xi32, #tpu.memory_space<hbm>>
        tpu.enqueue_dma source(%dma_start3A_322 : memref<2048xi32, #tpu.memory_space<hbm>>) target(%arg11 : memref<2048xi32, #tpu.memory_space<vmem>>) target_semaphore(%run_scoped3A : memref<!tpu.dma_semaphore, #tpu.memory_space<semaphore_mem>>)
        %dma_wait3A_323 = tpu.memref_slice %arg4[%multiple_of3A] : memref<61440xi32, #tpu.memory_space<hbm>> -> memref<2048xi32, #tpu.memory_space<hbm>>
        %dma_wait3A_324 = tpu.memref_slice %arg4[%multiple_of3A] : memref<61440xi32, #tpu.memory_space<hbm>> -> memref<2048xi32, #tpu.memory_space<hbm>>
        tpu.wait_dma2 semaphore(%run_scoped3A : memref<!tpu.dma_semaphore, #tpu.memory_space<semaphore_mem>>) src(%dma_wait3A_324 : memref<2048xi32, #tpu.memory_space<hbm>>) dst(%arg11 : memref<2048xi32, #tpu.memory_space<vmem>>)
        tpu.yield
      }) : () -> ()
      %scan3A_313 = arith.constant 0 : i32
      %scan3A_314 = arith.constant 0 : i32
      %scan3A_315 = arith.constant 128 : i32
      %scan3A_316 = arith.addi %scan3A_314, %scan3A_315 : i32
      %scan3A_317 = arith.constant 1 : i32
      %scan3A_318 = scf.for %scan3A_321 = %scan3A_314 to %scan3A_316 step %scan3A_317 iter_args(%scan3A_322 = %scan3A_313) -> (i32)  : i32 {
        %mul3A_323 = arith.constant 16 : i32
        %mul3A_324 = arith.muli %scan3A_321, %mul3A_323 : i32
        %multiple_of3A_325 = tpu.assume_multiple %mul3A_324, 16 : i32
        %get3A = arith.index_cast %multiple_of3A_325 : i32 to index
        %get3A_326 = tpu.vector_load %arg9[%get3A] {strides = array<i32>} : memref<2048xi32, #tpu.memory_space<vmem>>, vector<16xi32>,
        %get3A_327 = arith.index_cast %multiple_of3A_325 : i32 to index
        %get3A_328 = tpu.vector_load %arg10[%get3A_327] {strides = array<i32>} : memref<2048xi32, #tpu.memory_space<vmem>>, vector<16xi32>,
        %get3A_329 = arith.index_cast %multiple_of3A_325 : i32 to index
        %get3A_330 = tpu.vector_load %arg11[%get3A_329] {strides = array<i32>} : memref<2048xi32, #tpu.memory_space<vmem>>, vector<16xi32>,
        %mul3A_331 = arith.constant 17424 : i32
        %mul3A_332 = vector.broadcast %mul3A_331 : i32 to vector<16xi32>
        %mul3A_333 = arith.muli %get3A_326, %mul3A_332 : vector<16xi32>
        %shift_right_arithmetic3A = arith.constant 1 : i32
        %shift_right_arithmetic3A_334 = vector.broadcast %shift_right_arithmetic3A : i32 to vector<16xi32>
        %shift_right_arithmetic3A_335 = arith.shrsi %get3A_328, %shift_right_arithmetic3A_334 : vector<16xi32>
        %add3A_336 = arith.constant 2 : i32
        %add3A_337 = vector.broadcast %add3A_336 : i32 to vector<16xi32>
        %add3A_338 = arith.addi %shift_right_arithmetic3A_335, %add3A_337 : vector<16xi32>
        %mul3A_339 = arith.constant 132 : i32
        %mul3A_340 = vector.broadcast %mul3A_339 : i32 to vector<16xi32>
        %mul3A_341 = arith.muli %add3A_338, %mul3A_340 : vector<16xi32>
        %add3A_342 = arith.addi %mul3A_333, %mul3A_341 : vector<16xi32>
        %shift_right_arithmetic3A_343 = arith.constant 1 : i32
        %shift_right_arithmetic3A_344 = vector.broadcast %shift_right_arithmetic3A_343 : i32 to vector<16xi32>
        %shift_right_arithmetic3A_345 = arith.shrsi %get3A_330, %shift_right_arithmetic3A_344 : vector<16xi32>
        %add3A_346 = arith.constant 2 : i32
        %add3A_347 = vector.broadcast %add3A_346 : i32 to vector<16xi32>
        %add3A_348 = arith.addi %shift_right_arithmetic3A_345, %add3A_347 : vector<16xi32>
        %add3A_349 = arith.addi %add3A_342, %add3A_348 : vector<16xi32>
        %mul3A_350 = arith.constant 2048 : i32
        %mul3A_351 = arith.muli %scan3A_309, %mul3A_350 : i32
        %mul3A_352 = arith.constant 16 : i32
        %mul3A_353 = arith.muli %scan3A_321, %mul3A_352 : i32
        %add3A_354 = arith.addi %mul3A_351, %mul3A_353 : i32
        %add3A_355 = vector.broadcast %add3A_354 : i32 to vector<16xi32>
        %add3A_356 = arith.addi %add3A_355, %iota3A : vector<16xi32>
        %ge3A = vector.broadcast %mul3A_2 : i32 to vector<16xi32>
        %ge3A_357 = arith.cmpi sge, %add3A_349, %ge3A : vector<16xi32>
        %add3A_358 = arith.constant 2304 : i32
        %add3A_359 = arith.addi %mul3A_2, %add3A_358 : i32
        %lt3A = vector.broadcast %add3A_359 : i32 to vector<16xi32>
        %lt3A_360 = arith.cmpi slt, %add3A_349, %lt3A : vector<16xi32>
        %and3A = arith.andi %ge3A_357, %lt3A_360 : vector<16xi1>
        %sub3A = vector.broadcast %mul3A_2 : i32 to vector<16xi32>
        %sub3A_361 = arith.subi %add3A_349, %sub3A : vector<16xi32>
        %jit3A = arith.constant 0 : i32
        %broadcast_in_dim3A = vector.broadcast %jit3A : i32 to vector<16xi32>
        %select_n3A = arith.select %and3A, %sub3A_361, %broadcast_in_dim3A : vector<16xi1>, vector<16xi32>
        tpu.vector_store_idx %arg7[%select_n3A], %add3A_356 masked %and3A : memref<2304xi32, #tpu.memory_space<vmem>>[vector<16xi32>], vector<16xi32>, vector<16xi1>
        %gather3A = tpu.vector_load_idx %arg7[%select_n3A] : memref<2304xi32, #tpu.memory_space<vmem>>[vector<16xi32>], vector<16xi32>,
        %gt3A = arith.cmpi sgt, %add3A_356, %gather3A : vector<16xi32>
        %and3A_362 = arith.andi %and3A, %gt3A : vector<16xi1>
        tpu.vector_store_idx %arg7[%select_n3A], %add3A_356 masked %and3A_362 : memref<2304xi32, #tpu.memory_space<vmem>>[vector<16xi32>], vector<16xi32>, vector<16xi1>
        %gather3A_363 = tpu.vector_load_idx %arg7[%select_n3A] : memref<2304xi32, #tpu.memory_space<vmem>>[vector<16xi32>], vector<16xi32>,
        %gt3A_364 = arith.cmpi sgt, %add3A_356, %gather3A_363 : vector<16xi32>
        %and3A_365 = arith.andi %and3A, %gt3A_364 : vector<16xi1>
        tpu.vector_store_idx %arg7[%select_n3A], %add3A_356 masked %and3A_365 : memref<2304xi32, #tpu.memory_space<vmem>>[vector<16xi32>], vector<16xi32>, vector<16xi1>
        %gather3A_366 = tpu.vector_load_idx %arg7[%select_n3A] : memref<2304xi32, #tpu.memory_space<vmem>>[vector<16xi32>], vector<16xi32>,
        %gt3A_367 = arith.cmpi sgt, %add3A_356, %gather3A_366 : vector<16xi32>
        %and3A_368 = arith.andi %and3A, %gt3A_367 : vector<16xi1>
        tpu.vector_store_idx %arg7[%select_n3A], %add3A_356 masked %and3A_368 : memref<2304xi32, #tpu.memory_space<vmem>>[vector<16xi32>], vector<16xi32>, vector<16xi1>
        %scan3A_369 = arith.constant 0 : i32
        scf.yield %scan3A_369 : i32
      }
      %scan3A_319 = arith.constant 128 : i32
      %scan3A_320 = arith.constant 0 : i32
      scf.yield %scan3A_320 : i32
    }
    %scan3A_15 = arith.constant 30 : i32
    %scan3A_16 = arith.constant 0 : i32
    %scan3A_17 = arith.constant 0 : i32
    %scan3A_18 = arith.constant 144 : i32
    %scan3A_19 = arith.addi %scan3A_17, %scan3A_18 : i32
    %scan3A_20 = arith.constant 1 : i32
    %scan3A_21 = scf.for %scan3A_309 = %scan3A_17 to %scan3A_19 step %scan3A_20 iter_args(%scan3A_310 = %scan3A_16) -> (i32)  : i32 {
      %mul3A_311 = arith.constant 16 : i32
      %mul3A_312 = arith.muli %scan3A_309, %mul3A_311 : i32
      %multiple_of3A = tpu.assume_multiple %mul3A_312, 16 : i32
      %get3A = arith.index_cast %multiple_of3A : i32 to index
      %get3A_313 = tpu.vector_load %arg7[%get3A] {strides = array<i32>} : memref<2304xi32, #tpu.memory_space<vmem>>, vector<16xi32>,
      %lt3A = arith.constant 0 : i32
      %lt3A_314 = vector.broadcast %lt3A : i32 to vector<16xi32>
      %lt3A_315 = arith.cmpi slt, %get3A_313, %lt3A_314 : vector<16xi32>
      %and3A = arith.constant 7 : i32
      %and3A_316 = vector.broadcast %and3A : i32 to vector<16xi32>
      %and3A_317 = arith.andi %iota3A, %and3A_316 : vector<16xi32>
      %add3A_318 = arith.constant 60000 : i32
      %add3A_319 = vector.broadcast %add3A_318 : i32 to vector<16xi32>
      %add3A_320 = arith.addi %add3A_319, %and3A_317 : vector<16xi32>
      %select_n3A = arith.select %lt3A_315, %add3A_320, %get3A_313 : vector<16xi1>, vector<16xi32>
      %swap3A = arith.index_cast %multiple_of3A : i32 to index
      %swap3A_321 = tpu.vector_load %arg7[%swap3A] {strides = array<i32>} : memref<2304xi32, #tpu.memory_space<vmem>>, vector<16xi32>,
      tpu.vector_store %arg7[%swap3A], %select_n3A {strides = array<i32>} : memref<2304xi32, #tpu.memory_space<vmem>>, vector<16xi32>,
      %scan3A_322 = arith.constant 0 : i32
      scf.yield %scan3A_322 : i32
    }
    %scan3A_22 = arith.constant 144 : i32
    %dma_start3A = arith.constant 0 : i32
    %dma_start3A_23 = arith.constant 0 : i32
    %dma_start3A_24 = tpu.memref_slice %arg8[%dma_start3A, %dma_start3A_23] : memref<2304x8xf32, #tpu.memory_space<vmem>> -> memref<128x8xf32, #tpu.memory_space<vmem>>
    %dma_start3A_25 = arith.constant 0 : i32
    %dma_start3A_26 = tpu.memref_slice %arg7[%dma_start3A_25] : memref<2304xi32, #tpu.memory_space<vmem>> -> memref<128xi32, #tpu.memory_space<vmem>>
    %dma_start3A_27 = arith.constant 0 : i32
    %dma_start3A_28 = arith.constant 0 : i32
    %dma_start3A_29 = tpu.memref_slice %arg5[%dma_start3A_27, %dma_start3A_28] : memref<60008x8xf32, #tpu.memory_space<hbm>> -> memref<60008x8xf32, #tpu.memory_space<hbm>>
    tpu.enqueue_indirect_dma source(%dma_start3A_29 : memref<60008x8xf32, #tpu.memory_space<hbm>>) target(%dma_start3A_24 : memref<128x8xf32, #tpu.memory_space<vmem>>) offsets(%dma_start3A_26 : memref<128xi32, #tpu.memory_space<vmem>>) semaphore(%arg12 : memref<!tpu.dma_semaphore, #tpu.memory_space<semaphore_mem>>)
    %dma_start3A_30 = arith.constant 128 : i32
    %dma_start3A_31 = arith.constant 0 : i32
    %dma_start3A_32 = tpu.memref_slice %arg8[%dma_start3A_30, %dma_start3A_31] : memref<2304x8xf32, #tpu.memory_space<vmem>> -> memref<128x8xf32, #tpu.memory_space<vmem>>
    %dma_start3A_33 = arith.constant 128 : i32
    %dma_start3A_34 = tpu.memref_slice %arg7[%dma_start3A_33] : memref<2304xi32, #tpu.memory_space<vmem>> -> memref<128xi32, #tpu.memory_space<vmem>>
    %dma_start3A_35 = arith.constant 0 : i32
    %dma_start3A_36 = arith.constant 0 : i32
    %dma_start3A_37 = tpu.memref_slice %arg5[%dma_start3A_35, %dma_start3A_36] : memref<60008x8xf32, #tpu.memory_space<hbm>> -> memref<60008x8xf32, #tpu.memory_space<hbm>>
    tpu.enqueue_indirect_dma source(%dma_start3A_37 : memref<60008x8xf32, #tpu.memory_space<hbm>>) target(%dma_start3A_32 : memref<128x8xf32, #tpu.memory_space<vmem>>) offsets(%dma_start3A_34 : memref<128xi32, #tpu.memory_space<vmem>>) semaphore(%arg12 : memref<!tpu.dma_semaphore, #tpu.memory_space<semaphore_mem>>)
    %dma_start3A_38 = arith.constant 256 : i32
    %dma_start3A_39 = arith.constant 0 : i32
    %dma_start3A_40 = tpu.memref_slice %arg8[%dma_start3A_38, %dma_start3A_39] : memref<2304x8xf32, #tpu.memory_space<vmem>> -> memref<128x8xf32, #tpu.memory_space<vmem>>
    %dma_start3A_41 = arith.constant 256 : i32
    %dma_start3A_42 = tpu.memref_slice %arg7[%dma_start3A_41] : memref<2304xi32, #tpu.memory_space<vmem>> -> memref<128xi32, #tpu.memory_space<vmem>>
    %dma_start3A_43 = arith.constant 0 : i32
    %dma_start3A_44 = arith.constant 0 : i32
    %dma_start3A_45 = tpu.memref_slice %arg5[%dma_start3A_43, %dma_start3A_44] : memref<60008x8xf32, #tpu.memory_space<hbm>> -> memref<60008x8xf32, #tpu.memory_space<hbm>>
    tpu.enqueue_indirect_dma source(%dma_start3A_45 : memref<60008x8xf32, #tpu.memory_space<hbm>>) target(%dma_start3A_40 : memref<128x8xf32, #tpu.memory_space<vmem>>) offsets(%dma_start3A_42 : memref<128xi32, #tpu.memory_space<vmem>>) semaphore(%arg12 : memref<!tpu.dma_semaphore, #tpu.memory_space<semaphore_mem>>)
    %dma_start3A_46 = arith.constant 384 : i32
    %dma_start3A_47 = arith.constant 0 : i32
    %dma_start3A_48 = tpu.memref_slice %arg8[%dma_start3A_46, %dma_start3A_47] : memref<2304x8xf32, #tpu.memory_space<vmem>> -> memref<128x8xf32, #tpu.memory_space<vmem>>
    %dma_start3A_49 = arith.constant 384 : i32
    %dma_start3A_50 = tpu.memref_slice %arg7[%dma_start3A_49] : memref<2304xi32, #tpu.memory_space<vmem>> -> memref<128xi32, #tpu.memory_space<vmem>>
    %dma_start3A_51 = arith.constant 0 : i32
    %dma_start3A_52 = arith.constant 0 : i32
    %dma_start3A_53 = tpu.memref_slice %arg5[%dma_start3A_51, %dma_start3A_52] : memref<60008x8xf32, #tpu.memory_space<hbm>> -> memref<60008x8xf32, #tpu.memory_space<hbm>>
    tpu.enqueue_indirect_dma source(%dma_start3A_53 : memref<60008x8xf32, #tpu.memory_space<hbm>>) target(%dma_start3A_48 : memref<128x8xf32, #tpu.memory_space<vmem>>) offsets(%dma_start3A_50 : memref<128xi32, #tpu.memory_space<vmem>>) semaphore(%arg12 : memref<!tpu.dma_semaphore, #tpu.memory_space<semaphore_mem>>)
    %dma_start3A_54 = arith.constant 512 : i32
    %dma_start3A_55 = arith.constant 0 : i32
    %dma_start3A_56 = tpu.memref_slice %arg8[%dma_start3A_54, %dma_start3A_55] : memref<2304x8xf32, #tpu.memory_space<vmem>> -> memref<128x8xf32, #tpu.memory_space<vmem>>
    %dma_start3A_57 = arith.constant 512 : i32
    %dma_start3A_58 = tpu.memref_slice %arg7[%dma_start3A_57] : memref<2304xi32, #tpu.memory_space<vmem>> -> memref<128xi32, #tpu.memory_space<vmem>>
    %dma_start3A_59 = arith.constant 0 : i32
    %dma_start3A_60 = arith.constant 0 : i32
    %dma_start3A_61 = tpu.memref_slice %arg5[%dma_start3A_59, %dma_start3A_60] : memref<60008x8xf32, #tpu.memory_space<hbm>> -> memref<60008x8xf32, #tpu.memory_space<hbm>>
    tpu.enqueue_indirect_dma source(%dma_start3A_61 : memref<60008x8xf32, #tpu.memory_space<hbm>>) target(%dma_start3A_56 : memref<128x8xf32, #tpu.memory_space<vmem>>) offsets(%dma_start3A_58 : memref<128xi32, #tpu.memory_space<vmem>>) semaphore(%arg12 : memref<!tpu.dma_semaphore, #tpu.memory_space<semaphore_mem>>)
    %dma_start3A_62 = arith.constant 640 : i32
    %dma_start3A_63 = arith.constant 0 : i32
    %dma_start3A_64 = tpu.memref_slice %arg8[%dma_start3A_62, %dma_start3A_63] : memref<2304x8xf32, #tpu.memory_space<vmem>> -> memref<128x8xf32, #tpu.memory_space<vmem>>
    %dma_start3A_65 = arith.constant 640 : i32
    %dma_start3A_66 = tpu.memref_slice %arg7[%dma_start3A_65] : memref<2304xi32, #tpu.memory_space<vmem>> -> memref<128xi32, #tpu.memory_space<vmem>>
    %dma_start3A_67 = arith.constant 0 : i32
    %dma_start3A_68 = arith.constant 0 : i32
    %dma_start3A_69 = tpu.memref_slice %arg5[%dma_start3A_67, %dma_start3A_68] : memref<60008x8xf32, #tpu.memory_space<hbm>> -> memref<60008x8xf32, #tpu.memory_space<hbm>>
    tpu.enqueue_indirect_dma source(%dma_start3A_69 : memref<60008x8xf32, #tpu.memory_space<hbm>>) target(%dma_start3A_64 : memref<128x8xf32, #tpu.memory_space<vmem>>) offsets(%dma_start3A_66 : memref<128xi32, #tpu.memory_space<vmem>>) semaphore(%arg12 : memref<!tpu.dma_semaphore, #tpu.memory_space<semaphore_mem>>)
    %dma_start3A_70 = arith.constant 768 : i32
    %dma_start3A_71 = arith.constant 0 : i32
    %dma_start3A_72 = tpu.memref_slice %arg8[%dma_start3A_70, %dma_start3A_71] : memref<2304x8xf32, #tpu.memory_space<vmem>> -> memref<128x8xf32, #tpu.memory_space<vmem>>
    %dma_start3A_73 = arith.constant 768 : i32
    %dma_start3A_74 = tpu.memref_slice %arg7[%dma_start3A_73] : memref<2304xi32, #tpu.memory_space<vmem>> -> memref<128xi32, #tpu.memory_space<vmem>>
    %dma_start3A_75 = arith.constant 0 : i32
    %dma_start3A_76 = arith.constant 0 : i32
    %dma_start3A_77 = tpu.memref_slice %arg5[%dma_start3A_75, %dma_start3A_76] : memref<60008x8xf32, #tpu.memory_space<hbm>> -> memref<60008x8xf32, #tpu.memory_space<hbm>>
    tpu.enqueue_indirect_dma source(%dma_start3A_77 : memref<60008x8xf32, #tpu.memory_space<hbm>>) target(%dma_start3A_72 : memref<128x8xf32, #tpu.memory_space<vmem>>) offsets(%dma_start3A_74 : memref<128xi32, #tpu.memory_space<vmem>>) semaphore(%arg12 : memref<!tpu.dma_semaphore, #tpu.memory_space<semaphore_mem>>)
    %dma_start3A_78 = arith.constant 896 : i32
    %dma_start3A_79 = arith.constant 0 : i32
    %dma_start3A_80 = tpu.memref_slice %arg8[%dma_start3A_78, %dma_start3A_79] : memref<2304x8xf32, #tpu.memory_space<vmem>> -> memref<128x8xf32, #tpu.memory_space<vmem>>
    %dma_start3A_81 = arith.constant 896 : i32
    %dma_start3A_82 = tpu.memref_slice %arg7[%dma_start3A_81] : memref<2304xi32, #tpu.memory_space<vmem>> -> memref<128xi32, #tpu.memory_space<vmem>>
    %dma_start3A_83 = arith.constant 0 : i32
    %dma_start3A_84 = arith.constant 0 : i32
    %dma_start3A_85 = tpu.memref_slice %arg5[%dma_start3A_83, %dma_start3A_84] : memref<60008x8xf32, #tpu.memory_space<hbm>> -> memref<60008x8xf32, #tpu.memory_space<hbm>>
    tpu.enqueue_indirect_dma source(%dma_start3A_85 : memref<60008x8xf32, #tpu.memory_space<hbm>>) target(%dma_start3A_80 : memref<128x8xf32, #tpu.memory_space<vmem>>) offsets(%dma_start3A_82 : memref<128xi32, #tpu.memory_space<vmem>>) semaphore(%arg12 : memref<!tpu.dma_semaphore, #tpu.memory_space<semaphore_mem>>)
    %dma_start3A_86 = arith.constant 1024 : i32
    %dma_start3A_87 = arith.constant 0 : i32
    %dma_start3A_88 = tpu.memref_slice %arg8[%dma_start3A_86, %dma_start3A_87] : memref<2304x8xf32, #tpu.memory_space<vmem>> -> memref<128x8xf32, #tpu.memory_space<vmem>>
    %dma_start3A_89 = arith.constant 1024 : i32
    %dma_start3A_90 = tpu.memref_slice %arg7[%dma_start3A_89] : memref<2304xi32, #tpu.memory_space<vmem>> -> memref<128xi32, #tpu.memory_space<vmem>>
    %dma_start3A_91 = arith.constant 0 : i32
    %dma_start3A_92 = arith.constant 0 : i32
    %dma_start3A_93 = tpu.memref_slice %arg5[%dma_start3A_91, %dma_start3A_92] : memref<60008x8xf32, #tpu.memory_space<hbm>> -> memref<60008x8xf32, #tpu.memory_space<hbm>>
    tpu.enqueue_indirect_dma source(%dma_start3A_93 : memref<60008x8xf32, #tpu.memory_space<hbm>>) target(%dma_start3A_88 : memref<128x8xf32, #tpu.memory_space<vmem>>) offsets(%dma_start3A_90 : memref<128xi32, #tpu.memory_space<vmem>>) semaphore(%arg12 : memref<!tpu.dma_semaphore, #tpu.memory_space<semaphore_mem>>)
    %dma_start3A_94 = arith.constant 1152 : i32
    %dma_start3A_95 = arith.constant 0 : i32
    %dma_start3A_96 = tpu.memref_slice %arg8[%dma_start3A_94, %dma_start3A_95] : memref<2304x8xf32, #tpu.memory_space<vmem>> -> memref<128x8xf32, #tpu.memory_space<vmem>>
    %dma_start3A_97 = arith.constant 1152 : i32
    %dma_start3A_98 = tpu.memref_slice %arg7[%dma_start3A_97] : memref<2304xi32, #tpu.memory_space<vmem>> -> memref<128xi32, #tpu.memory_space<vmem>>
    %dma_start3A_99 = arith.constant 0 : i32
    %dma_start3A_100 = arith.constant 0 : i32
    %dma_start3A_101 = tpu.memref_slice %arg5[%dma_start3A_99, %dma_start3A_100] : memref<60008x8xf32, #tpu.memory_space<hbm>> -> memref<60008x8xf32, #tpu.memory_space<hbm>>
    tpu.enqueue_indirect_dma source(%dma_start3A_101 : memref<60008x8xf32, #tpu.memory_space<hbm>>) target(%dma_start3A_96 : memref<128x8xf32, #tpu.memory_space<vmem>>) offsets(%dma_start3A_98 : memref<128xi32, #tpu.memory_space<vmem>>) semaphore(%arg12 : memref<!tpu.dma_semaphore, #tpu.memory_space<semaphore_mem>>)
    %dma_start3A_102 = arith.constant 1280 : i32
    %dma_start3A_103 = arith.constant 0 : i32
    %dma_start3A_104 = tpu.memref_slice %arg8[%dma_start3A_102, %dma_start3A_103] : memref<2304x8xf32, #tpu.memory_space<vmem>> -> memref<128x8xf32, #tpu.memory_space<vmem>>
    %dma_start3A_105 = arith.constant 1280 : i32
    %dma_start3A_106 = tpu.memref_slice %arg7[%dma_start3A_105] : memref<2304xi32, #tpu.memory_space<vmem>> -> memref<128xi32, #tpu.memory_space<vmem>>
    %dma_start3A_107 = arith.constant 0 : i32
    %dma_start3A_108 = arith.constant 0 : i32
    %dma_start3A_109 = tpu.memref_slice %arg5[%dma_start3A_107, %dma_start3A_108] : memref<60008x8xf32, #tpu.memory_space<hbm>> -> memref<60008x8xf32, #tpu.memory_space<hbm>>
    tpu.enqueue_indirect_dma source(%dma_start3A_109 : memref<60008x8xf32, #tpu.memory_space<hbm>>) target(%dma_start3A_104 : memref<128x8xf32, #tpu.memory_space<vmem>>) offsets(%dma_start3A_106 : memref<128xi32, #tpu.memory_space<vmem>>) semaphore(%arg12 : memref<!tpu.dma_semaphore, #tpu.memory_space<semaphore_mem>>)
    %dma_start3A_110 = arith.constant 1408 : i32
    %dma_start3A_111 = arith.constant 0 : i32
    %dma_start3A_112 = tpu.memref_slice %arg8[%dma_start3A_110, %dma_start3A_111] : memref<2304x8xf32, #tpu.memory_space<vmem>> -> memref<128x8xf32, #tpu.memory_space<vmem>>
    %dma_start3A_113 = arith.constant 1408 : i32
    %dma_start3A_114 = tpu.memref_slice %arg7[%dma_start3A_113] : memref<2304xi32, #tpu.memory_space<vmem>> -> memref<128xi32, #tpu.memory_space<vmem>>
    %dma_start3A_115 = arith.constant 0 : i32
    %dma_start3A_116 = arith.constant 0 : i32
    %dma_start3A_117 = tpu.memref_slice %arg5[%dma_start3A_115, %dma_start3A_116] : memref<60008x8xf32, #tpu.memory_space<hbm>> -> memref<60008x8xf32, #tpu.memory_space<hbm>>
    tpu.enqueue_indirect_dma source(%dma_start3A_117 : memref<60008x8xf32, #tpu.memory_space<hbm>>) target(%dma_start3A_112 : memref<128x8xf32, #tpu.memory_space<vmem>>) offsets(%dma_start3A_114 : memref<128xi32, #tpu.memory_space<vmem>>) semaphore(%arg12 : memref<!tpu.dma_semaphore, #tpu.memory_space<semaphore_mem>>)
    %dma_start3A_118 = arith.constant 1536 : i32
    %dma_start3A_119 = arith.constant 0 : i32
    %dma_start3A_120 = tpu.memref_slice %arg8[%dma_start3A_118, %dma_start3A_119] : memref<2304x8xf32, #tpu.memory_space<vmem>> -> memref<128x8xf32, #tpu.memory_space<vmem>>
    %dma_start3A_121 = arith.constant 1536 : i32
    %dma_start3A_122 = tpu.memref_slice %arg7[%dma_start3A_121] : memref<2304xi32, #tpu.memory_space<vmem>> -> memref<128xi32, #tpu.memory_space<vmem>>
    %dma_start3A_123 = arith.constant 0 : i32
    %dma_start3A_124 = arith.constant 0 : i32
    %dma_start3A_125 = tpu.memref_slice %arg5[%dma_start3A_123, %dma_start3A_124] : memref<60008x8xf32, #tpu.memory_space<hbm>> -> memref<60008x8xf32, #tpu.memory_space<hbm>>
    tpu.enqueue_indirect_dma source(%dma_start3A_125 : memref<60008x8xf32, #tpu.memory_space<hbm>>) target(%dma_start3A_120 : memref<128x8xf32, #tpu.memory_space<vmem>>) offsets(%dma_start3A_122 : memref<128xi32, #tpu.memory_space<vmem>>) semaphore(%arg12 : memref<!tpu.dma_semaphore, #tpu.memory_space<semaphore_mem>>)
    %dma_start3A_126 = arith.constant 1664 : i32
    %dma_start3A_127 = arith.constant 0 : i32
    %dma_start3A_128 = tpu.memref_slice %arg8[%dma_start3A_126, %dma_start3A_127] : memref<2304x8xf32, #tpu.memory_space<vmem>> -> memref<128x8xf32, #tpu.memory_space<vmem>>
    %dma_start3A_129 = arith.constant 1664 : i32
    %dma_start3A_130 = tpu.memref_slice %arg7[%dma_start3A_129] : memref<2304xi32, #tpu.memory_space<vmem>> -> memref<128xi32, #tpu.memory_space<vmem>>
    %dma_start3A_131 = arith.constant 0 : i32
    %dma_start3A_132 = arith.constant 0 : i32
    %dma_start3A_133 = tpu.memref_slice %arg5[%dma_start3A_131, %dma_start3A_132] : memref<60008x8xf32, #tpu.memory_space<hbm>> -> memref<60008x8xf32, #tpu.memory_space<hbm>>
    tpu.enqueue_indirect_dma source(%dma_start3A_133 : memref<60008x8xf32, #tpu.memory_space<hbm>>) target(%dma_start3A_128 : memref<128x8xf32, #tpu.memory_space<vmem>>) offsets(%dma_start3A_130 : memref<128xi32, #tpu.memory_space<vmem>>) semaphore(%arg12 : memref<!tpu.dma_semaphore, #tpu.memory_space<semaphore_mem>>)
    %dma_start3A_134 = arith.constant 1792 : i32
    %dma_start3A_135 = arith.constant 0 : i32
    %dma_start3A_136 = tpu.memref_slice %arg8[%dma_start3A_134, %dma_start3A_135] : memref<2304x8xf32, #tpu.memory_space<vmem>> -> memref<128x8xf32, #tpu.memory_space<vmem>>
    %dma_start3A_137 = arith.constant 1792 : i32
    %dma_start3A_138 = tpu.memref_slice %arg7[%dma_start3A_137] : memref<2304xi32, #tpu.memory_space<vmem>> -> memref<128xi32, #tpu.memory_space<vmem>>
    %dma_start3A_139 = arith.constant 0 : i32
    %dma_start3A_140 = arith.constant 0 : i32
    %dma_start3A_141 = tpu.memref_slice %arg5[%dma_start3A_139, %dma_start3A_140] : memref<60008x8xf32, #tpu.memory_space<hbm>> -> memref<60008x8xf32, #tpu.memory_space<hbm>>
    tpu.enqueue_indirect_dma source(%dma_start3A_141 : memref<60008x8xf32, #tpu.memory_space<hbm>>) target(%dma_start3A_136 : memref<128x8xf32, #tpu.memory_space<vmem>>) offsets(%dma_start3A_138 : memref<128xi32, #tpu.memory_space<vmem>>) semaphore(%arg12 : memref<!tpu.dma_semaphore, #tpu.memory_space<semaphore_mem>>)
    %dma_start3A_142 = arith.constant 1920 : i32
    %dma_start3A_143 = arith.constant 0 : i32
    %dma_start3A_144 = tpu.memref_slice %arg8[%dma_start3A_142, %dma_start3A_143] : memref<2304x8xf32, #tpu.memory_space<vmem>> -> memref<128x8xf32, #tpu.memory_space<vmem>>
    %dma_start3A_145 = arith.constant 1920 : i32
    %dma_start3A_146 = tpu.memref_slice %arg7[%dma_start3A_145] : memref<2304xi32, #tpu.memory_space<vmem>> -> memref<128xi32, #tpu.memory_space<vmem>>
    %dma_start3A_147 = arith.constant 0 : i32
    %dma_start3A_148 = arith.constant 0 : i32
    %dma_start3A_149 = tpu.memref_slice %arg5[%dma_start3A_147, %dma_start3A_148] : memref<60008x8xf32, #tpu.memory_space<hbm>> -> memref<60008x8xf32, #tpu.memory_space<hbm>>
    tpu.enqueue_indirect_dma source(%dma_start3A_149 : memref<60008x8xf32, #tpu.memory_space<hbm>>) target(%dma_start3A_144 : memref<128x8xf32, #tpu.memory_space<vmem>>) offsets(%dma_start3A_146 : memref<128xi32, #tpu.memory_space<vmem>>) semaphore(%arg12 : memref<!tpu.dma_semaphore, #tpu.memory_space<semaphore_mem>>)
    %dma_start3A_150 = arith.constant 2048 : i32
    %dma_start3A_151 = arith.constant 0 : i32
    %dma_start3A_152 = tpu.memref_slice %arg8[%dma_start3A_150, %dma_start3A_151] : memref<2304x8xf32, #tpu.memory_space<vmem>> -> memref<128x8xf32, #tpu.memory_space<vmem>>
    %dma_start3A_153 = arith.constant 2048 : i32
    %dma_start3A_154 = tpu.memref_slice %arg7[%dma_start3A_153] : memref<2304xi32, #tpu.memory_space<vmem>> -> memref<128xi32, #tpu.memory_space<vmem>>
    %dma_start3A_155 = arith.constant 0 : i32
    %dma_start3A_156 = arith.constant 0 : i32
    %dma_start3A_157 = tpu.memref_slice %arg5[%dma_start3A_155, %dma_start3A_156] : memref<60008x8xf32, #tpu.memory_space<hbm>> -> memref<60008x8xf32, #tpu.memory_space<hbm>>
    tpu.enqueue_indirect_dma source(%dma_start3A_157 : memref<60008x8xf32, #tpu.memory_space<hbm>>) target(%dma_start3A_152 : memref<128x8xf32, #tpu.memory_space<vmem>>) offsets(%dma_start3A_154 : memref<128xi32, #tpu.memory_space<vmem>>) semaphore(%arg12 : memref<!tpu.dma_semaphore, #tpu.memory_space<semaphore_mem>>)
    %dma_start3A_158 = arith.constant 2176 : i32
    %dma_start3A_159 = arith.constant 0 : i32
    %dma_start3A_160 = tpu.memref_slice %arg8[%dma_start3A_158, %dma_start3A_159] : memref<2304x8xf32, #tpu.memory_space<vmem>> -> memref<128x8xf32, #tpu.memory_space<vmem>>
    %dma_start3A_161 = arith.constant 2176 : i32
    %dma_start3A_162 = tpu.memref_slice %arg7[%dma_start3A_161] : memref<2304xi32, #tpu.memory_space<vmem>> -> memref<128xi32, #tpu.memory_space<vmem>>
    %dma_start3A_163 = arith.constant 0 : i32
    %dma_start3A_164 = arith.constant 0 : i32
    %dma_start3A_165 = tpu.memref_slice %arg5[%dma_start3A_163, %dma_start3A_164] : memref<60008x8xf32, #tpu.memory_space<hbm>> -> memref<60008x8xf32, #tpu.memory_space<hbm>>
    tpu.enqueue_indirect_dma source(%dma_start3A_165 : memref<60008x8xf32, #tpu.memory_space<hbm>>) target(%dma_start3A_160 : memref<128x8xf32, #tpu.memory_space<vmem>>) offsets(%dma_start3A_162 : memref<128xi32, #tpu.memory_space<vmem>>) semaphore(%arg12 : memref<!tpu.dma_semaphore, #tpu.memory_space<semaphore_mem>>)
    %dma_wait3A = arith.constant 0 : i32
    %dma_wait3A_166 = arith.constant 0 : i32
    %dma_wait3A_167 = tpu.memref_slice %arg8[%dma_wait3A, %dma_wait3A_166] : memref<2304x8xf32, #tpu.memory_space<vmem>> -> memref<128x8xf32, #tpu.memory_space<vmem>>
    %dma_wait3A_168 = arith.constant 0 : i32
    %dma_wait3A_169 = tpu.memref_slice %arg7[%dma_wait3A_168] : memref<2304xi32, #tpu.memory_space<vmem>> -> memref<128xi32, #tpu.memory_space<vmem>>
    %dma_wait3A_170 = arith.constant 0 : i32
    %dma_wait3A_171 = arith.constant 0 : i32
    %dma_wait3A_172 = tpu.memref_slice %arg5[%dma_wait3A_170, %dma_wait3A_171] : memref<60008x8xf32, #tpu.memory_space<hbm>> -> memref<60008x8xf32, #tpu.memory_space<hbm>>
    tpu.wait_indirect_dma semaphore(%arg12 : memref<!tpu.dma_semaphore, #tpu.memory_space<semaphore_mem>>) src(%dma_wait3A_172 : memref<60008x8xf32, #tpu.memory_space<hbm>>) dst(%dma_wait3A_167 : memref<128x8xf32, #tpu.memory_space<vmem>>)
    %dma_wait3A_173 = arith.constant 128 : i32
    %dma_wait3A_174 = arith.constant 0 : i32
    %dma_wait3A_175 = tpu.memref_slice %arg8[%dma_wait3A_173, %dma_wait3A_174] : memref<2304x8xf32, #tpu.memory_space<vmem>> -> memref<128x8xf32, #tpu.memory_space<vmem>>
    %dma_wait3A_176 = arith.constant 128 : i32
    %dma_wait3A_177 = tpu.memref_slice %arg7[%dma_wait3A_176] : memref<2304xi32, #tpu.memory_space<vmem>> -> memref<128xi32, #tpu.memory_space<vmem>>
    %dma_wait3A_178 = arith.constant 0 : i32
    %dma_wait3A_179 = arith.constant 0 : i32
    %dma_wait3A_180 = tpu.memref_slice %arg5[%dma_wait3A_178, %dma_wait3A_179] : memref<60008x8xf32, #tpu.memory_space<hbm>> -> memref<60008x8xf32, #tpu.memory_space<hbm>>
    tpu.wait_indirect_dma semaphore(%arg12 : memref<!tpu.dma_semaphore, #tpu.memory_space<semaphore_mem>>) src(%dma_wait3A_180 : memref<60008x8xf32, #tpu.memory_space<hbm>>) dst(%dma_wait3A_175 : memref<128x8xf32, #tpu.memory_space<vmem>>)
    %dma_wait3A_181 = arith.constant 256 : i32
    %dma_wait3A_182 = arith.constant 0 : i32
    %dma_wait3A_183 = tpu.memref_slice %arg8[%dma_wait3A_181, %dma_wait3A_182] : memref<2304x8xf32, #tpu.memory_space<vmem>> -> memref<128x8xf32, #tpu.memory_space<vmem>>
    %dma_wait3A_184 = arith.constant 256 : i32
    %dma_wait3A_185 = tpu.memref_slice %arg7[%dma_wait3A_184] : memref<2304xi32, #tpu.memory_space<vmem>> -> memref<128xi32, #tpu.memory_space<vmem>>
    %dma_wait3A_186 = arith.constant 0 : i32
    %dma_wait3A_187 = arith.constant 0 : i32
    %dma_wait3A_188 = tpu.memref_slice %arg5[%dma_wait3A_186, %dma_wait3A_187] : memref<60008x8xf32, #tpu.memory_space<hbm>> -> memref<60008x8xf32, #tpu.memory_space<hbm>>
    tpu.wait_indirect_dma semaphore(%arg12 : memref<!tpu.dma_semaphore, #tpu.memory_space<semaphore_mem>>) src(%dma_wait3A_188 : memref<60008x8xf32, #tpu.memory_space<hbm>>) dst(%dma_wait3A_183 : memref<128x8xf32, #tpu.memory_space<vmem>>)
    %dma_wait3A_189 = arith.constant 384 : i32
    %dma_wait3A_190 = arith.constant 0 : i32
    %dma_wait3A_191 = tpu.memref_slice %arg8[%dma_wait3A_189, %dma_wait3A_190] : memref<2304x8xf32, #tpu.memory_space<vmem>> -> memref<128x8xf32, #tpu.memory_space<vmem>>
    %dma_wait3A_192 = arith.constant 384 : i32
    %dma_wait3A_193 = tpu.memref_slice %arg7[%dma_wait3A_192] : memref<2304xi32, #tpu.memory_space<vmem>> -> memref<128xi32, #tpu.memory_space<vmem>>
    %dma_wait3A_194 = arith.constant 0 : i32
    %dma_wait3A_195 = arith.constant 0 : i32
    %dma_wait3A_196 = tpu.memref_slice %arg5[%dma_wait3A_194, %dma_wait3A_195] : memref<60008x8xf32, #tpu.memory_space<hbm>> -> memref<60008x8xf32, #tpu.memory_space<hbm>>
    tpu.wait_indirect_dma semaphore(%arg12 : memref<!tpu.dma_semaphore, #tpu.memory_space<semaphore_mem>>) src(%dma_wait3A_196 : memref<60008x8xf32, #tpu.memory_space<hbm>>) dst(%dma_wait3A_191 : memref<128x8xf32, #tpu.memory_space<vmem>>)
    %dma_wait3A_197 = arith.constant 512 : i32
    %dma_wait3A_198 = arith.constant 0 : i32
    %dma_wait3A_199 = tpu.memref_slice %arg8[%dma_wait3A_197, %dma_wait3A_198] : memref<2304x8xf32, #tpu.memory_space<vmem>> -> memref<128x8xf32, #tpu.memory_space<vmem>>
    %dma_wait3A_200 = arith.constant 512 : i32
    %dma_wait3A_201 = tpu.memref_slice %arg7[%dma_wait3A_200] : memref<2304xi32, #tpu.memory_space<vmem>> -> memref<128xi32, #tpu.memory_space<vmem>>
    %dma_wait3A_202 = arith.constant 0 : i32
    %dma_wait3A_203 = arith.constant 0 : i32
    %dma_wait3A_204 = tpu.memref_slice %arg5[%dma_wait3A_202, %dma_wait3A_203] : memref<60008x8xf32, #tpu.memory_space<hbm>> -> memref<60008x8xf32, #tpu.memory_space<hbm>>
    tpu.wait_indirect_dma semaphore(%arg12 : memref<!tpu.dma_semaphore, #tpu.memory_space<semaphore_mem>>) src(%dma_wait3A_204 : memref<60008x8xf32, #tpu.memory_space<hbm>>) dst(%dma_wait3A_199 : memref<128x8xf32, #tpu.memory_space<vmem>>)
    %dma_wait3A_205 = arith.constant 640 : i32
    %dma_wait3A_206 = arith.constant 0 : i32
    %dma_wait3A_207 = tpu.memref_slice %arg8[%dma_wait3A_205, %dma_wait3A_206] : memref<2304x8xf32, #tpu.memory_space<vmem>> -> memref<128x8xf32, #tpu.memory_space<vmem>>
    %dma_wait3A_208 = arith.constant 640 : i32
    %dma_wait3A_209 = tpu.memref_slice %arg7[%dma_wait3A_208] : memref<2304xi32, #tpu.memory_space<vmem>> -> memref<128xi32, #tpu.memory_space<vmem>>
    %dma_wait3A_210 = arith.constant 0 : i32
    %dma_wait3A_211 = arith.constant 0 : i32
    %dma_wait3A_212 = tpu.memref_slice %arg5[%dma_wait3A_210, %dma_wait3A_211] : memref<60008x8xf32, #tpu.memory_space<hbm>> -> memref<60008x8xf32, #tpu.memory_space<hbm>>
    tpu.wait_indirect_dma semaphore(%arg12 : memref<!tpu.dma_semaphore, #tpu.memory_space<semaphore_mem>>) src(%dma_wait3A_212 : memref<60008x8xf32, #tpu.memory_space<hbm>>) dst(%dma_wait3A_207 : memref<128x8xf32, #tpu.memory_space<vmem>>)
    %dma_wait3A_213 = arith.constant 768 : i32
    %dma_wait3A_214 = arith.constant 0 : i32
    %dma_wait3A_215 = tpu.memref_slice %arg8[%dma_wait3A_213, %dma_wait3A_214] : memref<2304x8xf32, #tpu.memory_space<vmem>> -> memref<128x8xf32, #tpu.memory_space<vmem>>
    %dma_wait3A_216 = arith.constant 768 : i32
    %dma_wait3A_217 = tpu.memref_slice %arg7[%dma_wait3A_216] : memref<2304xi32, #tpu.memory_space<vmem>> -> memref<128xi32, #tpu.memory_space<vmem>>
    %dma_wait3A_218 = arith.constant 0 : i32
    %dma_wait3A_219 = arith.constant 0 : i32
    %dma_wait3A_220 = tpu.memref_slice %arg5[%dma_wait3A_218, %dma_wait3A_219] : memref<60008x8xf32, #tpu.memory_space<hbm>> -> memref<60008x8xf32, #tpu.memory_space<hbm>>
    tpu.wait_indirect_dma semaphore(%arg12 : memref<!tpu.dma_semaphore, #tpu.memory_space<semaphore_mem>>) src(%dma_wait3A_220 : memref<60008x8xf32, #tpu.memory_space<hbm>>) dst(%dma_wait3A_215 : memref<128x8xf32, #tpu.memory_space<vmem>>)
    %dma_wait3A_221 = arith.constant 896 : i32
    %dma_wait3A_222 = arith.constant 0 : i32
    %dma_wait3A_223 = tpu.memref_slice %arg8[%dma_wait3A_221, %dma_wait3A_222] : memref<2304x8xf32, #tpu.memory_space<vmem>> -> memref<128x8xf32, #tpu.memory_space<vmem>>
    %dma_wait3A_224 = arith.constant 896 : i32
    %dma_wait3A_225 = tpu.memref_slice %arg7[%dma_wait3A_224] : memref<2304xi32, #tpu.memory_space<vmem>> -> memref<128xi32, #tpu.memory_space<vmem>>
    %dma_wait3A_226 = arith.constant 0 : i32
    %dma_wait3A_227 = arith.constant 0 : i32
    %dma_wait3A_228 = tpu.memref_slice %arg5[%dma_wait3A_226, %dma_wait3A_227] : memref<60008x8xf32, #tpu.memory_space<hbm>> -> memref<60008x8xf32, #tpu.memory_space<hbm>>
    tpu.wait_indirect_dma semaphore(%arg12 : memref<!tpu.dma_semaphore, #tpu.memory_space<semaphore_mem>>) src(%dma_wait3A_228 : memref<60008x8xf32, #tpu.memory_space<hbm>>) dst(%dma_wait3A_223 : memref<128x8xf32, #tpu.memory_space<vmem>>)
    %dma_wait3A_229 = arith.constant 1024 : i32
    %dma_wait3A_230 = arith.constant 0 : i32
    %dma_wait3A_231 = tpu.memref_slice %arg8[%dma_wait3A_229, %dma_wait3A_230] : memref<2304x8xf32, #tpu.memory_space<vmem>> -> memref<128x8xf32, #tpu.memory_space<vmem>>
    %dma_wait3A_232 = arith.constant 1024 : i32
    %dma_wait3A_233 = tpu.memref_slice %arg7[%dma_wait3A_232] : memref<2304xi32, #tpu.memory_space<vmem>> -> memref<128xi32, #tpu.memory_space<vmem>>
    %dma_wait3A_234 = arith.constant 0 : i32
    %dma_wait3A_235 = arith.constant 0 : i32
    %dma_wait3A_236 = tpu.memref_slice %arg5[%dma_wait3A_234, %dma_wait3A_235] : memref<60008x8xf32, #tpu.memory_space<hbm>> -> memref<60008x8xf32, #tpu.memory_space<hbm>>
    tpu.wait_indirect_dma semaphore(%arg12 : memref<!tpu.dma_semaphore, #tpu.memory_space<semaphore_mem>>) src(%dma_wait3A_236 : memref<60008x8xf32, #tpu.memory_space<hbm>>) dst(%dma_wait3A_231 : memref<128x8xf32, #tpu.memory_space<vmem>>)
    %dma_wait3A_237 = arith.constant 1152 : i32
    %dma_wait3A_238 = arith.constant 0 : i32
    %dma_wait3A_239 = tpu.memref_slice %arg8[%dma_wait3A_237, %dma_wait3A_238] : memref<2304x8xf32, #tpu.memory_space<vmem>> -> memref<128x8xf32, #tpu.memory_space<vmem>>
    %dma_wait3A_240 = arith.constant 1152 : i32
    %dma_wait3A_241 = tpu.memref_slice %arg7[%dma_wait3A_240] : memref<2304xi32, #tpu.memory_space<vmem>> -> memref<128xi32, #tpu.memory_space<vmem>>
    %dma_wait3A_242 = arith.constant 0 : i32
    %dma_wait3A_243 = arith.constant 0 : i32
    %dma_wait3A_244 = tpu.memref_slice %arg5[%dma_wait3A_242, %dma_wait3A_243] : memref<60008x8xf32, #tpu.memory_space<hbm>> -> memref<60008x8xf32, #tpu.memory_space<hbm>>
    tpu.wait_indirect_dma semaphore(%arg12 : memref<!tpu.dma_semaphore, #tpu.memory_space<semaphore_mem>>) src(%dma_wait3A_244 : memref<60008x8xf32, #tpu.memory_space<hbm>>) dst(%dma_wait3A_239 : memref<128x8xf32, #tpu.memory_space<vmem>>)
    %dma_wait3A_245 = arith.constant 1280 : i32
    %dma_wait3A_246 = arith.constant 0 : i32
    %dma_wait3A_247 = tpu.memref_slice %arg8[%dma_wait3A_245, %dma_wait3A_246] : memref<2304x8xf32, #tpu.memory_space<vmem>> -> memref<128x8xf32, #tpu.memory_space<vmem>>
    %dma_wait3A_248 = arith.constant 1280 : i32
    %dma_wait3A_249 = tpu.memref_slice %arg7[%dma_wait3A_248] : memref<2304xi32, #tpu.memory_space<vmem>> -> memref<128xi32, #tpu.memory_space<vmem>>
    %dma_wait3A_250 = arith.constant 0 : i32
    %dma_wait3A_251 = arith.constant 0 : i32
    %dma_wait3A_252 = tpu.memref_slice %arg5[%dma_wait3A_250, %dma_wait3A_251] : memref<60008x8xf32, #tpu.memory_space<hbm>> -> memref<60008x8xf32, #tpu.memory_space<hbm>>
    tpu.wait_indirect_dma semaphore(%arg12 : memref<!tpu.dma_semaphore, #tpu.memory_space<semaphore_mem>>) src(%dma_wait3A_252 : memref<60008x8xf32, #tpu.memory_space<hbm>>) dst(%dma_wait3A_247 : memref<128x8xf32, #tpu.memory_space<vmem>>)
    %dma_wait3A_253 = arith.constant 1408 : i32
    %dma_wait3A_254 = arith.constant 0 : i32
    %dma_wait3A_255 = tpu.memref_slice %arg8[%dma_wait3A_253, %dma_wait3A_254] : memref<2304x8xf32, #tpu.memory_space<vmem>> -> memref<128x8xf32, #tpu.memory_space<vmem>>
    %dma_wait3A_256 = arith.constant 1408 : i32
    %dma_wait3A_257 = tpu.memref_slice %arg7[%dma_wait3A_256] : memref<2304xi32, #tpu.memory_space<vmem>> -> memref<128xi32, #tpu.memory_space<vmem>>
    %dma_wait3A_258 = arith.constant 0 : i32
    %dma_wait3A_259 = arith.constant 0 : i32
    %dma_wait3A_260 = tpu.memref_slice %arg5[%dma_wait3A_258, %dma_wait3A_259] : memref<60008x8xf32, #tpu.memory_space<hbm>> -> memref<60008x8xf32, #tpu.memory_space<hbm>>
    tpu.wait_indirect_dma semaphore(%arg12 : memref<!tpu.dma_semaphore, #tpu.memory_space<semaphore_mem>>) src(%dma_wait3A_260 : memref<60008x8xf32, #tpu.memory_space<hbm>>) dst(%dma_wait3A_255 : memref<128x8xf32, #tpu.memory_space<vmem>>)
    %dma_wait3A_261 = arith.constant 1536 : i32
    %dma_wait3A_262 = arith.constant 0 : i32
    %dma_wait3A_263 = tpu.memref_slice %arg8[%dma_wait3A_261, %dma_wait3A_262] : memref<2304x8xf32, #tpu.memory_space<vmem>> -> memref<128x8xf32, #tpu.memory_space<vmem>>
    %dma_wait3A_264 = arith.constant 1536 : i32
    %dma_wait3A_265 = tpu.memref_slice %arg7[%dma_wait3A_264] : memref<2304xi32, #tpu.memory_space<vmem>> -> memref<128xi32, #tpu.memory_space<vmem>>
    %dma_wait3A_266 = arith.constant 0 : i32
    %dma_wait3A_267 = arith.constant 0 : i32
    %dma_wait3A_268 = tpu.memref_slice %arg5[%dma_wait3A_266, %dma_wait3A_267] : memref<60008x8xf32, #tpu.memory_space<hbm>> -> memref<60008x8xf32, #tpu.memory_space<hbm>>
    tpu.wait_indirect_dma semaphore(%arg12 : memref<!tpu.dma_semaphore, #tpu.memory_space<semaphore_mem>>) src(%dma_wait3A_268 : memref<60008x8xf32, #tpu.memory_space<hbm>>) dst(%dma_wait3A_263 : memref<128x8xf32, #tpu.memory_space<vmem>>)
    %dma_wait3A_269 = arith.constant 1664 : i32
    %dma_wait3A_270 = arith.constant 0 : i32
    %dma_wait3A_271 = tpu.memref_slice %arg8[%dma_wait3A_269, %dma_wait3A_270] : memref<2304x8xf32, #tpu.memory_space<vmem>> -> memref<128x8xf32, #tpu.memory_space<vmem>>
    %dma_wait3A_272 = arith.constant 1664 : i32
    %dma_wait3A_273 = tpu.memref_slice %arg7[%dma_wait3A_272] : memref<2304xi32, #tpu.memory_space<vmem>> -> memref<128xi32, #tpu.memory_space<vmem>>
    %dma_wait3A_274 = arith.constant 0 : i32
    %dma_wait3A_275 = arith.constant 0 : i32
    %dma_wait3A_276 = tpu.memref_slice %arg5[%dma_wait3A_274, %dma_wait3A_275] : memref<60008x8xf32, #tpu.memory_space<hbm>> -> memref<60008x8xf32, #tpu.memory_space<hbm>>
    tpu.wait_indirect_dma semaphore(%arg12 : memref<!tpu.dma_semaphore, #tpu.memory_space<semaphore_mem>>) src(%dma_wait3A_276 : memref<60008x8xf32, #tpu.memory_space<hbm>>) dst(%dma_wait3A_271 : memref<128x8xf32, #tpu.memory_space<vmem>>)
    %dma_wait3A_277 = arith.constant 1792 : i32
    %dma_wait3A_278 = arith.constant 0 : i32
    %dma_wait3A_279 = tpu.memref_slice %arg8[%dma_wait3A_277, %dma_wait3A_278] : memref<2304x8xf32, #tpu.memory_space<vmem>> -> memref<128x8xf32, #tpu.memory_space<vmem>>
    %dma_wait3A_280 = arith.constant 1792 : i32
    %dma_wait3A_281 = tpu.memref_slice %arg7[%dma_wait3A_280] : memref<2304xi32, #tpu.memory_space<vmem>> -> memref<128xi32, #tpu.memory_space<vmem>>
    %dma_wait3A_282 = arith.constant 0 : i32
    %dma_wait3A_283 = arith.constant 0 : i32
    %dma_wait3A_284 = tpu.memref_slice %arg5[%dma_wait3A_282, %dma_wait3A_283] : memref<60008x8xf32, #tpu.memory_space<hbm>> -> memref<60008x8xf32, #tpu.memory_space<hbm>>
    tpu.wait_indirect_dma semaphore(%arg12 : memref<!tpu.dma_semaphore, #tpu.memory_space<semaphore_mem>>) src(%dma_wait3A_284 : memref<60008x8xf32, #tpu.memory_space<hbm>>) dst(%dma_wait3A_279 : memref<128x8xf32, #tpu.memory_space<vmem>>)
    %dma_wait3A_285 = arith.constant 1920 : i32
    %dma_wait3A_286 = arith.constant 0 : i32
    %dma_wait3A_287 = tpu.memref_slice %arg8[%dma_wait3A_285, %dma_wait3A_286] : memref<2304x8xf32, #tpu.memory_space<vmem>> -> memref<128x8xf32, #tpu.memory_space<vmem>>
    %dma_wait3A_288 = arith.constant 1920 : i32
    %dma_wait3A_289 = tpu.memref_slice %arg7[%dma_wait3A_288] : memref<2304xi32, #tpu.memory_space<vmem>> -> memref<128xi32, #tpu.memory_space<vmem>>
    %dma_wait3A_290 = arith.constant 0 : i32
    %dma_wait3A_291 = arith.constant 0 : i32
    %dma_wait3A_292 = tpu.memref_slice %arg5[%dma_wait3A_290, %dma_wait3A_291] : memref<60008x8xf32, #tpu.memory_space<hbm>> -> memref<60008x8xf32, #tpu.memory_space<hbm>>
    tpu.wait_indirect_dma semaphore(%arg12 : memref<!tpu.dma_semaphore, #tpu.memory_space<semaphore_mem>>) src(%dma_wait3A_292 : memref<60008x8xf32, #tpu.memory_space<hbm>>) dst(%dma_wait3A_287 : memref<128x8xf32, #tpu.memory_space<vmem>>)
    %dma_wait3A_293 = arith.constant 2048 : i32
    %dma_wait3A_294 = arith.constant 0 : i32
    %dma_wait3A_295 = tpu.memref_slice %arg8[%dma_wait3A_293, %dma_wait3A_294] : memref<2304x8xf32, #tpu.memory_space<vmem>> -> memref<128x8xf32, #tpu.memory_space<vmem>>
    %dma_wait3A_296 = arith.constant 2048 : i32
    %dma_wait3A_297 = tpu.memref_slice %arg7[%dma_wait3A_296] : memref<2304xi32, #tpu.memory_space<vmem>> -> memref<128xi32, #tpu.memory_space<vmem>>
    %dma_wait3A_298 = arith.constant 0 : i32
    %dma_wait3A_299 = arith.constant 0 : i32
    %dma_wait3A_300 = tpu.memref_slice %arg5[%dma_wait3A_298, %dma_wait3A_299] : memref<60008x8xf32, #tpu.memory_space<hbm>> -> memref<60008x8xf32, #tpu.memory_space<hbm>>
    tpu.wait_indirect_dma semaphore(%arg12 : memref<!tpu.dma_semaphore, #tpu.memory_space<semaphore_mem>>) src(%dma_wait3A_300 : memref<60008x8xf32, #tpu.memory_space<hbm>>) dst(%dma_wait3A_295 : memref<128x8xf32, #tpu.memory_space<vmem>>)
    %dma_wait3A_301 = arith.constant 2176 : i32
    %dma_wait3A_302 = arith.constant 0 : i32
    %dma_wait3A_303 = tpu.memref_slice %arg8[%dma_wait3A_301, %dma_wait3A_302] : memref<2304x8xf32, #tpu.memory_space<vmem>> -> memref<128x8xf32, #tpu.memory_space<vmem>>
    %dma_wait3A_304 = arith.constant 2176 : i32
    %dma_wait3A_305 = tpu.memref_slice %arg7[%dma_wait3A_304] : memref<2304xi32, #tpu.memory_space<vmem>> -> memref<128xi32, #tpu.memory_space<vmem>>
    %dma_wait3A_306 = arith.constant 0 : i32
    %dma_wait3A_307 = arith.constant 0 : i32
    %dma_wait3A_308 = tpu.memref_slice %arg5[%dma_wait3A_306, %dma_wait3A_307] : memref<60008x8xf32, #tpu.memory_space<hbm>> -> memref<60008x8xf32, #tpu.memory_space<hbm>>
    tpu.wait_indirect_dma semaphore(%arg12 : memref<!tpu.dma_semaphore, #tpu.memory_space<semaphore_mem>>) src(%dma_wait3A_308 : memref<60008x8xf32, #tpu.memory_space<hbm>>) dst(%dma_wait3A_303 : memref<128x8xf32, #tpu.memory_space<vmem>>)
    "tpu.region"() ({
      %run_scoped3A = tpu.sem_alloc : memref<!tpu.dma_semaphore, #tpu.memory_space<semaphore_mem>>
      %dma_start3A_309 = arith.constant 0 : i32
      %dma_start3A_310 = tpu.memref_slice %arg6[%mul3A_2, %dma_start3A_309] : memref<73728x8xf32, #tpu.memory_space<hbm>> -> memref<2304x8xf32, #tpu.memory_space<hbm>>
      %dma_start3A_311 = arith.constant 0 : i32
      %dma_start3A_312 = tpu.memref_slice %arg6[%mul3A_2, %dma_start3A_311] : memref<73728x8xf32, #tpu.memory_space<hbm>> -> memref<2304x8xf32, #tpu.memory_space<hbm>>
      tpu.enqueue_dma source(%arg8 : memref<2304x8xf32, #tpu.memory_space<vmem>>) target(%dma_start3A_312 : memref<2304x8xf32, #tpu.memory_space<hbm>>) target_semaphore(%run_scoped3A : memref<!tpu.dma_semaphore, #tpu.memory_space<semaphore_mem>>)
      %dma_wait3A_313 = arith.constant 0 : i32
      %dma_wait3A_314 = tpu.memref_slice %arg6[%mul3A_2, %dma_wait3A_313] : memref<73728x8xf32, #tpu.memory_space<hbm>> -> memref<2304x8xf32, #tpu.memory_space<hbm>>
      %dma_wait3A_315 = arith.constant 0 : i32
      %dma_wait3A_316 = tpu.memref_slice %arg6[%mul3A_2, %dma_wait3A_315] : memref<73728x8xf32, #tpu.memory_space<hbm>> -> memref<2304x8xf32, #tpu.memory_space<hbm>>
      tpu.wait_dma2 semaphore(%run_scoped3A : memref<!tpu.dma_semaphore, #tpu.memory_space<semaphore_mem>>) src(%arg8 : memref<2304x8xf32, #tpu.memory_space<vmem>>) dst(%dma_wait3A_316 : memref<2304x8xf32, #tpu.memory_space<hbm>>)
      tpu.yield
    }) : () -> ()
    return
  }
}

module attributes {stable_mosaic.version = 14 : i64} {
  func.func @_stencil_body(%arg0: memref<4x132x132xf32, #tpu.memory_space<vmem>>, %arg1: memref<4x132x132xf32, #tpu.memory_space<vmem>>, %arg2: memref<4x132x132xf32, #tpu.memory_space<vmem>>, %arg3: memref<4x132x132xf32, #tpu.memory_space<vmem>>, %arg4: memref<4x132x132xf32, #tpu.memory_space<vmem>>, %arg5: memref<4x132x132xf32, #tpu.memory_space<vmem>>, %arg6: memref<4x132x132xf32, #tpu.memory_space<vmem>>, %arg7: memref<4x132x132xf32, #tpu.memory_space<vmem>>, %arg8: memref<4x128x128xf32, #tpu.memory_space<vmem>>, %arg9: memref<4x128x128xf32, #tpu.memory_space<vmem>>) attributes {dimension_semantics = [], scalar_prefetch = 0 : i64, scratch_operands = 0 : i64, tpu.core_type = #tpu.core_type<tc>} {
    %iota3A = tpu.iota {dimensions = array<i32: 1>} : vector<4x128x128xi32>
    %mul3A = arith.constant 4 : i32
    %mul3A_0 = vector.broadcast %mul3A : i32 to vector<4x128x128xi32>
    %mul3A_1 = arith.muli %mul3A_0, %iota3A : vector<4x128x128xi32>
    %add3A = arith.constant 4 : i32
    %add3A_2 = vector.broadcast %add3A : i32 to vector<4x128x128xi32>
    %add3A_3 = arith.addi %mul3A_1, %add3A_2 : vector<4x128x128xi32>
    %mul3A_4 = arith.constant 13108 : i32
    %mul3A_5 = vector.broadcast %mul3A_4 : i32 to vector<4x128x128xi32>
    %mul3A_6 = arith.muli %add3A_3, %mul3A_5 : vector<4x128x128xi32>
    %shift_right_arithmetic3A = arith.constant 16 : i32
    %shift_right_arithmetic3A_7 = vector.broadcast %shift_right_arithmetic3A : i32 to vector<4x128x128xi32>
    %shift_right_arithmetic3A_8 = arith.shrsi %mul3A_6, %shift_right_arithmetic3A_7 : vector<4x128x128xi32>
    %convert_element_type3A = arith.sitofp %shift_right_arithmetic3A_8 : vector<4x128x128xi32> to vector<4x128x128xf32>
    %iota3A_9 = tpu.iota {dimensions = array<i32: 2>} : vector<4x128x128xi32>
    %mul3A_10 = arith.constant 4 : i32
    %mul3A_11 = vector.broadcast %mul3A_10 : i32 to vector<4x128x128xi32>
    %mul3A_12 = arith.muli %mul3A_11, %iota3A_9 : vector<4x128x128xi32>
    %add3A_13 = arith.constant 4 : i32
    %add3A_14 = vector.broadcast %add3A_13 : i32 to vector<4x128x128xi32>
    %add3A_15 = arith.addi %mul3A_12, %add3A_14 : vector<4x128x128xi32>
    %mul3A_16 = arith.constant 13108 : i32
    %mul3A_17 = vector.broadcast %mul3A_16 : i32 to vector<4x128x128xi32>
    %mul3A_18 = arith.muli %add3A_15, %mul3A_17 : vector<4x128x128xi32>
    %shift_right_arithmetic3A_19 = arith.constant 16 : i32
    %shift_right_arithmetic3A_20 = vector.broadcast %shift_right_arithmetic3A_19 : i32 to vector<4x128x128xi32>
    %shift_right_arithmetic3A_21 = arith.shrsi %mul3A_18, %shift_right_arithmetic3A_20 : vector<4x128x128xi32>
    %convert_element_type3A_22 = arith.sitofp %shift_right_arithmetic3A_21 : vector<4x128x128xi32> to vector<4x128x128xf32>
    %broadcast_in_dim3A = arith.constant 0.000000e+00 : f32
    %broadcast_in_dim3A_23 = vector.broadcast %broadcast_in_dim3A : f32 to vector<4x128x128xf32>
    %broadcast_in_dim3A_24 = arith.constant 0.000000e+00 : f32
    %broadcast_in_dim3A_25 = vector.broadcast %broadcast_in_dim3A_24 : f32 to vector<4x128x128xf32>
    %get3A = arith.constant 0 : index
    %get3A_26 = arith.constant 1 : index
    %get3A_27 = arith.constant 1 : index
    %get3A_28 = vector.load %arg0[%get3A, %get3A_26, %get3A_27] : memref<4x132x132xf32, #tpu.memory_space<vmem>>, vector<4x128x128xf32>
    %add3A_29 = arith.constant 5.000000e-01 : f32
    %add3A_30 = vector.broadcast %add3A_29 : f32 to vector<4x128x128xf32>
    %add3A_31 = arith.addf %get3A_28, %add3A_30 : vector<4x128x128xf32>
    %mul3A_32 = arith.constant 4.000000e-01 : f32
    %mul3A_33 = vector.broadcast %mul3A_32 : f32 to vector<4x128x128xf32>
    %mul3A_34 = arith.mulf %add3A_31, %mul3A_33 : vector<4x128x128xf32>
    %get3A_35 = arith.constant 0 : index
    %get3A_36 = arith.constant 1 : index
    %get3A_37 = arith.constant 1 : index
    %get3A_38 = vector.load %arg1[%get3A_35, %get3A_36, %get3A_37] : memref<4x132x132xf32, #tpu.memory_space<vmem>>, vector<4x128x128xf32>
    %add3A_39 = arith.constant 5.000000e-01 : f32
    %add3A_40 = vector.broadcast %add3A_39 : f32 to vector<4x128x128xf32>
    %add3A_41 = arith.addf %get3A_38, %add3A_40 : vector<4x128x128xf32>
    %mul3A_42 = arith.constant 4.000000e-01 : f32
    %mul3A_43 = vector.broadcast %mul3A_42 : f32 to vector<4x128x128xf32>
    %mul3A_44 = arith.mulf %add3A_41, %mul3A_43 : vector<4x128x128xf32>
    %sub3A = arith.subf %convert_element_type3A, %mul3A_34 : vector<4x128x128xf32>
    %sub3A_45 = arith.subf %convert_element_type3A_22, %mul3A_44 : vector<4x128x128xf32>
    %get3A_46 = arith.constant 0 : index
    %get3A_47 = arith.constant 1 : index
    %get3A_48 = arith.constant 1 : index
    %get3A_49 = vector.load %arg4[%get3A_46, %get3A_47, %get3A_48] : memref<4x132x132xf32, #tpu.memory_space<vmem>>, vector<4x128x128xf32>
    %max3A = arith.constant 0.000000e+00 : f32
    %max3A_50 = vector.broadcast %max3A : f32 to vector<4x128x128xf32>
    %max3A_51 = arith.maximumf %get3A_49, %max3A_50 : vector<4x128x128xf32>
    %add3A_52 = arith.constant 1.000000e-01 : f32
    %add3A_53 = vector.broadcast %add3A_52 : f32 to vector<4x128x128xf32>
    %add3A_54 = arith.addf %max3A_51, %add3A_53 : vector<4x128x128xf32>
    %get3A_55 = arith.constant 0 : index
    %get3A_56 = arith.constant 1 : index
    %get3A_57 = arith.constant 1 : index
    %get3A_58 = vector.load %arg5[%get3A_55, %get3A_56, %get3A_57] : memref<4x132x132xf32, #tpu.memory_space<vmem>>, vector<4x128x128xf32>
    %max3A_59 = arith.constant 0.000000e+00 : f32
    %max3A_60 = vector.broadcast %max3A_59 : f32 to vector<4x128x128xf32>
    %max3A_61 = arith.maximumf %get3A_58, %max3A_60 : vector<4x128x128xf32>
    %add3A_62 = arith.constant 1.000000e-01 : f32
    %add3A_63 = vector.broadcast %add3A_62 : f32 to vector<4x128x128xf32>
    %add3A_64 = arith.addf %max3A_61, %add3A_63 : vector<4x128x128xf32>
    %get3A_65 = arith.constant 0 : index
    %get3A_66 = arith.constant 1 : index
    %get3A_67 = arith.constant 1 : index
    %get3A_68 = vector.load %arg6[%get3A_65, %get3A_66, %get3A_67] : memref<4x132x132xf32, #tpu.memory_space<vmem>>, vector<4x128x128xf32>
    %max3A_69 = arith.constant 0.000000e+00 : f32
    %max3A_70 = vector.broadcast %max3A_69 : f32 to vector<4x128x128xf32>
    %max3A_71 = arith.maximumf %get3A_68, %max3A_70 : vector<4x128x128xf32>
    %add3A_72 = arith.constant 1.000000e-01 : f32
    %add3A_73 = vector.broadcast %add3A_72 : f32 to vector<4x128x128xf32>
    %add3A_74 = arith.addf %max3A_71, %add3A_73 : vector<4x128x128xf32>
    %get3A_75 = arith.constant 0 : index
    %get3A_76 = arith.constant 1 : index
    %get3A_77 = arith.constant 1 : index
    %get3A_78 = vector.load %arg7[%get3A_75, %get3A_76, %get3A_77] : memref<4x132x132xf32, #tpu.memory_space<vmem>>, vector<4x128x128xf32>
    %max3A_79 = arith.constant 0.000000e+00 : f32
    %max3A_80 = vector.broadcast %max3A_79 : f32 to vector<4x128x128xf32>
    %max3A_81 = arith.maximumf %get3A_78, %max3A_80 : vector<4x128x128xf32>
    %add3A_82 = arith.constant 1.000000e-01 : f32
    %add3A_83 = vector.broadcast %add3A_82 : f32 to vector<4x128x128xf32>
    %add3A_84 = arith.addf %max3A_81, %add3A_83 : vector<4x128x128xf32>
    %mul3A_85 = arith.mulf %sub3A, %sub3A : vector<4x128x128xf32>
    %mul3A_86 = arith.mulf %sub3A_45, %sub3A_45 : vector<4x128x128xf32>
    %div3A = arith.divf %mul3A_85, %add3A_54 : vector<4x128x128xf32>
    %div3A_87 = arith.divf %mul3A_86, %add3A_64 : vector<4x128x128xf32>
    %add3A_88 = arith.addf %div3A, %div3A_87 : vector<4x128x128xf32>
    %mul3A_89 = arith.constant -5.000000e-01 : f32
    %mul3A_90 = vector.broadcast %mul3A_89 : f32 to vector<4x128x128xf32>
    %mul3A_91 = arith.mulf %mul3A_90, %add3A_88 : vector<4x128x128xf32>
    %exp3A = math.exp %mul3A_91 : vector<4x128x128xf32>
    %get3A_92 = arith.constant 0 : index
    %get3A_93 = arith.constant 1 : index
    %get3A_94 = arith.constant 1 : index
    %get3A_95 = vector.load %arg2[%get3A_92, %get3A_93, %get3A_94] : memref<4x132x132xf32, #tpu.memory_space<vmem>>, vector<4x128x128xf32>
    %max3A_96 = arith.constant 0.000000e+00 : f32
    %max3A_97 = vector.broadcast %max3A_96 : f32 to vector<4x128x128xf32>
    %max3A_98 = arith.maximumf %get3A_95, %max3A_97 : vector<4x128x128xf32>
    %mul3A_99 = arith.mulf %exp3A, %max3A_98 : vector<4x128x128xf32>
    %add3A_100 = arith.addf %broadcast_in_dim3A_23, %mul3A_99 : vector<4x128x128xf32>
    %div3A_101 = arith.divf %mul3A_85, %add3A_74 : vector<4x128x128xf32>
    %div3A_102 = arith.divf %mul3A_86, %add3A_84 : vector<4x128x128xf32>
    %add3A_103 = arith.addf %div3A_101, %div3A_102 : vector<4x128x128xf32>
    %mul3A_104 = arith.constant -5.000000e-01 : f32
    %mul3A_105 = vector.broadcast %mul3A_104 : f32 to vector<4x128x128xf32>
    %mul3A_106 = arith.mulf %mul3A_105, %add3A_103 : vector<4x128x128xf32>
    %exp3A_107 = math.exp %mul3A_106 : vector<4x128x128xf32>
    %get3A_108 = arith.constant 0 : index
    %get3A_109 = arith.constant 1 : index
    %get3A_110 = arith.constant 1 : index
    %get3A_111 = vector.load %arg3[%get3A_108, %get3A_109, %get3A_110] : memref<4x132x132xf32, #tpu.memory_space<vmem>>, vector<4x128x128xf32>
    %max3A_112 = arith.constant 0.000000e+00 : f32
    %max3A_113 = vector.broadcast %max3A_112 : f32 to vector<4x128x128xf32>
    %max3A_114 = arith.maximumf %get3A_111, %max3A_113 : vector<4x128x128xf32>
    %mul3A_115 = arith.mulf %exp3A_107, %max3A_114 : vector<4x128x128xf32>
    %add3A_116 = arith.addf %broadcast_in_dim3A_25, %mul3A_115 : vector<4x128x128xf32>
    %get3A_117 = arith.constant 0 : index
    %get3A_118 = arith.constant 1 : index
    %get3A_119 = arith.constant 2 : index
    %get3A_120 = vector.load %arg0[%get3A_117, %get3A_118, %get3A_119] : memref<4x132x132xf32, #tpu.memory_space<vmem>>, vector<4x128x128xf32>
    %add3A_121 = arith.constant 5.000000e-01 : f32
    %add3A_122 = vector.broadcast %add3A_121 : f32 to vector<4x128x128xf32>
    %add3A_123 = arith.addf %get3A_120, %add3A_122 : vector<4x128x128xf32>
    %mul3A_124 = arith.constant 4.000000e-01 : f32
    %mul3A_125 = vector.broadcast %mul3A_124 : f32 to vector<4x128x128xf32>
    %mul3A_126 = arith.mulf %add3A_123, %mul3A_125 : vector<4x128x128xf32>
    %get3A_127 = arith.constant 0 : index
    %get3A_128 = arith.constant 1 : index
    %get3A_129 = arith.constant 2 : index
    %get3A_130 = vector.load %arg1[%get3A_127, %get3A_128, %get3A_129] : memref<4x132x132xf32, #tpu.memory_space<vmem>>, vector<4x128x128xf32>
    %add3A_131 = arith.constant 5.000000e-01 : f32
    %add3A_132 = vector.broadcast %add3A_131 : f32 to vector<4x128x128xf32>
    %add3A_133 = arith.addf %get3A_130, %add3A_132 : vector<4x128x128xf32>
    %mul3A_134 = arith.constant 4.000000e-01 : f32
    %mul3A_135 = vector.broadcast %mul3A_134 : f32 to vector<4x128x128xf32>
    %mul3A_136 = arith.mulf %add3A_133, %mul3A_135 : vector<4x128x128xf32>
    %sub3A_137 = arith.subf %convert_element_type3A, %mul3A_126 : vector<4x128x128xf32>
    %sub3A_138 = arith.subf %convert_element_type3A_22, %mul3A_136 : vector<4x128x128xf32>
    %get3A_139 = arith.constant 0 : index
    %get3A_140 = arith.constant 1 : index
    %get3A_141 = arith.constant 2 : index
    %get3A_142 = vector.load %arg4[%get3A_139, %get3A_140, %get3A_141] : memref<4x132x132xf32, #tpu.memory_space<vmem>>, vector<4x128x128xf32>
    %max3A_143 = arith.constant 0.000000e+00 : f32
    %max3A_144 = vector.broadcast %max3A_143 : f32 to vector<4x128x128xf32>
    %max3A_145 = arith.maximumf %get3A_142, %max3A_144 : vector<4x128x128xf32>
    %add3A_146 = arith.constant 1.000000e-01 : f32
    %add3A_147 = vector.broadcast %add3A_146 : f32 to vector<4x128x128xf32>
    %add3A_148 = arith.addf %max3A_145, %add3A_147 : vector<4x128x128xf32>
    %get3A_149 = arith.constant 0 : index
    %get3A_150 = arith.constant 1 : index
    %get3A_151 = arith.constant 2 : index
    %get3A_152 = vector.load %arg5[%get3A_149, %get3A_150, %get3A_151] : memref<4x132x132xf32, #tpu.memory_space<vmem>>, vector<4x128x128xf32>
    %max3A_153 = arith.constant 0.000000e+00 : f32
    %max3A_154 = vector.broadcast %max3A_153 : f32 to vector<4x128x128xf32>
    %max3A_155 = arith.maximumf %get3A_152, %max3A_154 : vector<4x128x128xf32>
    %add3A_156 = arith.constant 1.000000e-01 : f32
    %add3A_157 = vector.broadcast %add3A_156 : f32 to vector<4x128x128xf32>
    %add3A_158 = arith.addf %max3A_155, %add3A_157 : vector<4x128x128xf32>
    %get3A_159 = arith.constant 0 : index
    %get3A_160 = arith.constant 1 : index
    %get3A_161 = arith.constant 2 : index
    %get3A_162 = vector.load %arg6[%get3A_159, %get3A_160, %get3A_161] : memref<4x132x132xf32, #tpu.memory_space<vmem>>, vector<4x128x128xf32>
    %max3A_163 = arith.constant 0.000000e+00 : f32
    %max3A_164 = vector.broadcast %max3A_163 : f32 to vector<4x128x128xf32>
    %max3A_165 = arith.maximumf %get3A_162, %max3A_164 : vector<4x128x128xf32>
    %add3A_166 = arith.constant 1.000000e-01 : f32
    %add3A_167 = vector.broadcast %add3A_166 : f32 to vector<4x128x128xf32>
    %add3A_168 = arith.addf %max3A_165, %add3A_167 : vector<4x128x128xf32>
    %get3A_169 = arith.constant 0 : index
    %get3A_170 = arith.constant 1 : index
    %get3A_171 = arith.constant 2 : index
    %get3A_172 = vector.load %arg7[%get3A_169, %get3A_170, %get3A_171] : memref<4x132x132xf32, #tpu.memory_space<vmem>>, vector<4x128x128xf32>
    %max3A_173 = arith.constant 0.000000e+00 : f32
    %max3A_174 = vector.broadcast %max3A_173 : f32 to vector<4x128x128xf32>
    %max3A_175 = arith.maximumf %get3A_172, %max3A_174 : vector<4x128x128xf32>
    %add3A_176 = arith.constant 1.000000e-01 : f32
    %add3A_177 = vector.broadcast %add3A_176 : f32 to vector<4x128x128xf32>
    %add3A_178 = arith.addf %max3A_175, %add3A_177 : vector<4x128x128xf32>
    %mul3A_179 = arith.mulf %sub3A_137, %sub3A_137 : vector<4x128x128xf32>
    %mul3A_180 = arith.mulf %sub3A_138, %sub3A_138 : vector<4x128x128xf32>
    %div3A_181 = arith.divf %mul3A_179, %add3A_148 : vector<4x128x128xf32>
    %div3A_182 = arith.divf %mul3A_180, %add3A_158 : vector<4x128x128xf32>
    %add3A_183 = arith.addf %div3A_181, %div3A_182 : vector<4x128x128xf32>
    %mul3A_184 = arith.constant -5.000000e-01 : f32
    %mul3A_185 = vector.broadcast %mul3A_184 : f32 to vector<4x128x128xf32>
    %mul3A_186 = arith.mulf %mul3A_185, %add3A_183 : vector<4x128x128xf32>
    %exp3A_187 = math.exp %mul3A_186 : vector<4x128x128xf32>
    %get3A_188 = arith.constant 0 : index
    %get3A_189 = arith.constant 1 : index
    %get3A_190 = arith.constant 2 : index
    %get3A_191 = vector.load %arg2[%get3A_188, %get3A_189, %get3A_190] : memref<4x132x132xf32, #tpu.memory_space<vmem>>, vector<4x128x128xf32>
    %max3A_192 = arith.constant 0.000000e+00 : f32
    %max3A_193 = vector.broadcast %max3A_192 : f32 to vector<4x128x128xf32>
    %max3A_194 = arith.maximumf %get3A_191, %max3A_193 : vector<4x128x128xf32>
    %mul3A_195 = arith.mulf %exp3A_187, %max3A_194 : vector<4x128x128xf32>
    %add3A_196 = arith.addf %add3A_100, %mul3A_195 : vector<4x128x128xf32>
    %div3A_197 = arith.divf %mul3A_179, %add3A_168 : vector<4x128x128xf32>
    %div3A_198 = arith.divf %mul3A_180, %add3A_178 : vector<4x128x128xf32>
    %add3A_199 = arith.addf %div3A_197, %div3A_198 : vector<4x128x128xf32>
    %mul3A_200 = arith.constant -5.000000e-01 : f32
    %mul3A_201 = vector.broadcast %mul3A_200 : f32 to vector<4x128x128xf32>
    %mul3A_202 = arith.mulf %mul3A_201, %add3A_199 : vector<4x128x128xf32>
    %exp3A_203 = math.exp %mul3A_202 : vector<4x128x128xf32>
    %get3A_204 = arith.constant 0 : index
    %get3A_205 = arith.constant 1 : index
    %get3A_206 = arith.constant 2 : index
    %get3A_207 = vector.load %arg3[%get3A_204, %get3A_205, %get3A_206] : memref<4x132x132xf32, #tpu.memory_space<vmem>>, vector<4x128x128xf32>
    %max3A_208 = arith.constant 0.000000e+00 : f32
    %max3A_209 = vector.broadcast %max3A_208 : f32 to vector<4x128x128xf32>
    %max3A_210 = arith.maximumf %get3A_207, %max3A_209 : vector<4x128x128xf32>
    %mul3A_211 = arith.mulf %exp3A_203, %max3A_210 : vector<4x128x128xf32>
    %add3A_212 = arith.addf %add3A_116, %mul3A_211 : vector<4x128x128xf32>
    %get3A_213 = arith.constant 0 : index
    %get3A_214 = arith.constant 1 : index
    %get3A_215 = arith.constant 3 : index
    %get3A_216 = vector.load %arg0[%get3A_213, %get3A_214, %get3A_215] : memref<4x132x132xf32, #tpu.memory_space<vmem>>, vector<4x128x128xf32>
    %add3A_217 = arith.constant 5.000000e-01 : f32
    %add3A_218 = vector.broadcast %add3A_217 : f32 to vector<4x128x128xf32>
    %add3A_219 = arith.addf %get3A_216, %add3A_218 : vector<4x128x128xf32>
    %mul3A_220 = arith.constant 4.000000e-01 : f32
    %mul3A_221 = vector.broadcast %mul3A_220 : f32 to vector<4x128x128xf32>
    %mul3A_222 = arith.mulf %add3A_219, %mul3A_221 : vector<4x128x128xf32>
    %get3A_223 = arith.constant 0 : index
    %get3A_224 = arith.constant 1 : index
    %get3A_225 = arith.constant 3 : index
    %get3A_226 = vector.load %arg1[%get3A_223, %get3A_224, %get3A_225] : memref<4x132x132xf32, #tpu.memory_space<vmem>>, vector<4x128x128xf32>
    %add3A_227 = arith.constant 5.000000e-01 : f32
    %add3A_228 = vector.broadcast %add3A_227 : f32 to vector<4x128x128xf32>
    %add3A_229 = arith.addf %get3A_226, %add3A_228 : vector<4x128x128xf32>
    %mul3A_230 = arith.constant 4.000000e-01 : f32
    %mul3A_231 = vector.broadcast %mul3A_230 : f32 to vector<4x128x128xf32>
    %mul3A_232 = arith.mulf %add3A_229, %mul3A_231 : vector<4x128x128xf32>
    %sub3A_233 = arith.subf %convert_element_type3A, %mul3A_222 : vector<4x128x128xf32>
    %sub3A_234 = arith.subf %convert_element_type3A_22, %mul3A_232 : vector<4x128x128xf32>
    %get3A_235 = arith.constant 0 : index
    %get3A_236 = arith.constant 1 : index
    %get3A_237 = arith.constant 3 : index
    %get3A_238 = vector.load %arg4[%get3A_235, %get3A_236, %get3A_237] : memref<4x132x132xf32, #tpu.memory_space<vmem>>, vector<4x128x128xf32>
    %max3A_239 = arith.constant 0.000000e+00 : f32
    %max3A_240 = vector.broadcast %max3A_239 : f32 to vector<4x128x128xf32>
    %max3A_241 = arith.maximumf %get3A_238, %max3A_240 : vector<4x128x128xf32>
    %add3A_242 = arith.constant 1.000000e-01 : f32
    %add3A_243 = vector.broadcast %add3A_242 : f32 to vector<4x128x128xf32>
    %add3A_244 = arith.addf %max3A_241, %add3A_243 : vector<4x128x128xf32>
    %get3A_245 = arith.constant 0 : index
    %get3A_246 = arith.constant 1 : index
    %get3A_247 = arith.constant 3 : index
    %get3A_248 = vector.load %arg5[%get3A_245, %get3A_246, %get3A_247] : memref<4x132x132xf32, #tpu.memory_space<vmem>>, vector<4x128x128xf32>
    %max3A_249 = arith.constant 0.000000e+00 : f32
    %max3A_250 = vector.broadcast %max3A_249 : f32 to vector<4x128x128xf32>
    %max3A_251 = arith.maximumf %get3A_248, %max3A_250 : vector<4x128x128xf32>
    %add3A_252 = arith.constant 1.000000e-01 : f32
    %add3A_253 = vector.broadcast %add3A_252 : f32 to vector<4x128x128xf32>
    %add3A_254 = arith.addf %max3A_251, %add3A_253 : vector<4x128x128xf32>
    %get3A_255 = arith.constant 0 : index
    %get3A_256 = arith.constant 1 : index
    %get3A_257 = arith.constant 3 : index
    %get3A_258 = vector.load %arg6[%get3A_255, %get3A_256, %get3A_257] : memref<4x132x132xf32, #tpu.memory_space<vmem>>, vector<4x128x128xf32>
    %max3A_259 = arith.constant 0.000000e+00 : f32
    %max3A_260 = vector.broadcast %max3A_259 : f32 to vector<4x128x128xf32>
    %max3A_261 = arith.maximumf %get3A_258, %max3A_260 : vector<4x128x128xf32>
    %add3A_262 = arith.constant 1.000000e-01 : f32
    %add3A_263 = vector.broadcast %add3A_262 : f32 to vector<4x128x128xf32>
    %add3A_264 = arith.addf %max3A_261, %add3A_263 : vector<4x128x128xf32>
    %get3A_265 = arith.constant 0 : index
    %get3A_266 = arith.constant 1 : index
    %get3A_267 = arith.constant 3 : index
    %get3A_268 = vector.load %arg7[%get3A_265, %get3A_266, %get3A_267] : memref<4x132x132xf32, #tpu.memory_space<vmem>>, vector<4x128x128xf32>
    %max3A_269 = arith.constant 0.000000e+00 : f32
    %max3A_270 = vector.broadcast %max3A_269 : f32 to vector<4x128x128xf32>
    %max3A_271 = arith.maximumf %get3A_268, %max3A_270 : vector<4x128x128xf32>
    %add3A_272 = arith.constant 1.000000e-01 : f32
    %add3A_273 = vector.broadcast %add3A_272 : f32 to vector<4x128x128xf32>
    %add3A_274 = arith.addf %max3A_271, %add3A_273 : vector<4x128x128xf32>
    %mul3A_275 = arith.mulf %sub3A_233, %sub3A_233 : vector<4x128x128xf32>
    %mul3A_276 = arith.mulf %sub3A_234, %sub3A_234 : vector<4x128x128xf32>
    %div3A_277 = arith.divf %mul3A_275, %add3A_244 : vector<4x128x128xf32>
    %div3A_278 = arith.divf %mul3A_276, %add3A_254 : vector<4x128x128xf32>
    %add3A_279 = arith.addf %div3A_277, %div3A_278 : vector<4x128x128xf32>
    %mul3A_280 = arith.constant -5.000000e-01 : f32
    %mul3A_281 = vector.broadcast %mul3A_280 : f32 to vector<4x128x128xf32>
    %mul3A_282 = arith.mulf %mul3A_281, %add3A_279 : vector<4x128x128xf32>
    %exp3A_283 = math.exp %mul3A_282 : vector<4x128x128xf32>
    %get3A_284 = arith.constant 0 : index
    %get3A_285 = arith.constant 1 : index
    %get3A_286 = arith.constant 3 : index
    %get3A_287 = vector.load %arg2[%get3A_284, %get3A_285, %get3A_286] : memref<4x132x132xf32, #tpu.memory_space<vmem>>, vector<4x128x128xf32>
    %max3A_288 = arith.constant 0.000000e+00 : f32
    %max3A_289 = vector.broadcast %max3A_288 : f32 to vector<4x128x128xf32>
    %max3A_290 = arith.maximumf %get3A_287, %max3A_289 : vector<4x128x128xf32>
    %mul3A_291 = arith.mulf %exp3A_283, %max3A_290 : vector<4x128x128xf32>
    %add3A_292 = arith.addf %add3A_196, %mul3A_291 : vector<4x128x128xf32>
    %div3A_293 = arith.divf %mul3A_275, %add3A_264 : vector<4x128x128xf32>
    %div3A_294 = arith.divf %mul3A_276, %add3A_274 : vector<4x128x128xf32>
    %add3A_295 = arith.addf %div3A_293, %div3A_294 : vector<4x128x128xf32>
    %mul3A_296 = arith.constant -5.000000e-01 : f32
    %mul3A_297 = vector.broadcast %mul3A_296 : f32 to vector<4x128x128xf32>
    %mul3A_298 = arith.mulf %mul3A_297, %add3A_295 : vector<4x128x128xf32>
    %exp3A_299 = math.exp %mul3A_298 : vector<4x128x128xf32>
    %get3A_300 = arith.constant 0 : index
    %get3A_301 = arith.constant 1 : index
    %get3A_302 = arith.constant 3 : index
    %get3A_303 = vector.load %arg3[%get3A_300, %get3A_301, %get3A_302] : memref<4x132x132xf32, #tpu.memory_space<vmem>>, vector<4x128x128xf32>
    %max3A_304 = arith.constant 0.000000e+00 : f32
    %max3A_305 = vector.broadcast %max3A_304 : f32 to vector<4x128x128xf32>
    %max3A_306 = arith.maximumf %get3A_303, %max3A_305 : vector<4x128x128xf32>
    %mul3A_307 = arith.mulf %exp3A_299, %max3A_306 : vector<4x128x128xf32>
    %add3A_308 = arith.addf %add3A_212, %mul3A_307 : vector<4x128x128xf32>
    %get3A_309 = arith.constant 0 : index
    %get3A_310 = arith.constant 2 : index
    %get3A_311 = arith.constant 1 : index
    %get3A_312 = vector.load %arg0[%get3A_309, %get3A_310, %get3A_311] : memref<4x132x132xf32, #tpu.memory_space<vmem>>, vector<4x128x128xf32>
    %add3A_313 = arith.constant 5.000000e-01 : f32
    %add3A_314 = vector.broadcast %add3A_313 : f32 to vector<4x128x128xf32>
    %add3A_315 = arith.addf %get3A_312, %add3A_314 : vector<4x128x128xf32>
    %mul3A_316 = arith.constant 4.000000e-01 : f32
    %mul3A_317 = vector.broadcast %mul3A_316 : f32 to vector<4x128x128xf32>
    %mul3A_318 = arith.mulf %add3A_315, %mul3A_317 : vector<4x128x128xf32>
    %get3A_319 = arith.constant 0 : index
    %get3A_320 = arith.constant 2 : index
    %get3A_321 = arith.constant 1 : index
    %get3A_322 = vector.load %arg1[%get3A_319, %get3A_320, %get3A_321] : memref<4x132x132xf32, #tpu.memory_space<vmem>>, vector<4x128x128xf32>
    %add3A_323 = arith.constant 5.000000e-01 : f32
    %add3A_324 = vector.broadcast %add3A_323 : f32 to vector<4x128x128xf32>
    %add3A_325 = arith.addf %get3A_322, %add3A_324 : vector<4x128x128xf32>
    %mul3A_326 = arith.constant 4.000000e-01 : f32
    %mul3A_327 = vector.broadcast %mul3A_326 : f32 to vector<4x128x128xf32>
    %mul3A_328 = arith.mulf %add3A_325, %mul3A_327 : vector<4x128x128xf32>
    %sub3A_329 = arith.subf %convert_element_type3A, %mul3A_318 : vector<4x128x128xf32>
    %sub3A_330 = arith.subf %convert_element_type3A_22, %mul3A_328 : vector<4x128x128xf32>
    %get3A_331 = arith.constant 0 : index
    %get3A_332 = arith.constant 2 : index
    %get3A_333 = arith.constant 1 : index
    %get3A_334 = vector.load %arg4[%get3A_331, %get3A_332, %get3A_333] : memref<4x132x132xf32, #tpu.memory_space<vmem>>, vector<4x128x128xf32>
    %max3A_335 = arith.constant 0.000000e+00 : f32
    %max3A_336 = vector.broadcast %max3A_335 : f32 to vector<4x128x128xf32>
    %max3A_337 = arith.maximumf %get3A_334, %max3A_336 : vector<4x128x128xf32>
    %add3A_338 = arith.constant 1.000000e-01 : f32
    %add3A_339 = vector.broadcast %add3A_338 : f32 to vector<4x128x128xf32>
    %add3A_340 = arith.addf %max3A_337, %add3A_339 : vector<4x128x128xf32>
    %get3A_341 = arith.constant 0 : index
    %get3A_342 = arith.constant 2 : index
    %get3A_343 = arith.constant 1 : index
    %get3A_344 = vector.load %arg5[%get3A_341, %get3A_342, %get3A_343] : memref<4x132x132xf32, #tpu.memory_space<vmem>>, vector<4x128x128xf32>
    %max3A_345 = arith.constant 0.000000e+00 : f32
    %max3A_346 = vector.broadcast %max3A_345 : f32 to vector<4x128x128xf32>
    %max3A_347 = arith.maximumf %get3A_344, %max3A_346 : vector<4x128x128xf32>
    %add3A_348 = arith.constant 1.000000e-01 : f32
    %add3A_349 = vector.broadcast %add3A_348 : f32 to vector<4x128x128xf32>
    %add3A_350 = arith.addf %max3A_347, %add3A_349 : vector<4x128x128xf32>
    %get3A_351 = arith.constant 0 : index
    %get3A_352 = arith.constant 2 : index
    %get3A_353 = arith.constant 1 : index
    %get3A_354 = vector.load %arg6[%get3A_351, %get3A_352, %get3A_353] : memref<4x132x132xf32, #tpu.memory_space<vmem>>, vector<4x128x128xf32>
    %max3A_355 = arith.constant 0.000000e+00 : f32
    %max3A_356 = vector.broadcast %max3A_355 : f32 to vector<4x128x128xf32>
    %max3A_357 = arith.maximumf %get3A_354, %max3A_356 : vector<4x128x128xf32>
    %add3A_358 = arith.constant 1.000000e-01 : f32
    %add3A_359 = vector.broadcast %add3A_358 : f32 to vector<4x128x128xf32>
    %add3A_360 = arith.addf %max3A_357, %add3A_359 : vector<4x128x128xf32>
    %get3A_361 = arith.constant 0 : index
    %get3A_362 = arith.constant 2 : index
    %get3A_363 = arith.constant 1 : index
    %get3A_364 = vector.load %arg7[%get3A_361, %get3A_362, %get3A_363] : memref<4x132x132xf32, #tpu.memory_space<vmem>>, vector<4x128x128xf32>
    %max3A_365 = arith.constant 0.000000e+00 : f32
    %max3A_366 = vector.broadcast %max3A_365 : f32 to vector<4x128x128xf32>
    %max3A_367 = arith.maximumf %get3A_364, %max3A_366 : vector<4x128x128xf32>
    %add3A_368 = arith.constant 1.000000e-01 : f32
    %add3A_369 = vector.broadcast %add3A_368 : f32 to vector<4x128x128xf32>
    %add3A_370 = arith.addf %max3A_367, %add3A_369 : vector<4x128x128xf32>
    %mul3A_371 = arith.mulf %sub3A_329, %sub3A_329 : vector<4x128x128xf32>
    %mul3A_372 = arith.mulf %sub3A_330, %sub3A_330 : vector<4x128x128xf32>
    %div3A_373 = arith.divf %mul3A_371, %add3A_340 : vector<4x128x128xf32>
    %div3A_374 = arith.divf %mul3A_372, %add3A_350 : vector<4x128x128xf32>
    %add3A_375 = arith.addf %div3A_373, %div3A_374 : vector<4x128x128xf32>
    %mul3A_376 = arith.constant -5.000000e-01 : f32
    %mul3A_377 = vector.broadcast %mul3A_376 : f32 to vector<4x128x128xf32>
    %mul3A_378 = arith.mulf %mul3A_377, %add3A_375 : vector<4x128x128xf32>
    %exp3A_379 = math.exp %mul3A_378 : vector<4x128x128xf32>
    %get3A_380 = arith.constant 0 : index
    %get3A_381 = arith.constant 2 : index
    %get3A_382 = arith.constant 1 : index
    %get3A_383 = vector.load %arg2[%get3A_380, %get3A_381, %get3A_382] : memref<4x132x132xf32, #tpu.memory_space<vmem>>, vector<4x128x128xf32>
    %max3A_384 = arith.constant 0.000000e+00 : f32
    %max3A_385 = vector.broadcast %max3A_384 : f32 to vector<4x128x128xf32>
    %max3A_386 = arith.maximumf %get3A_383, %max3A_385 : vector<4x128x128xf32>
    %mul3A_387 = arith.mulf %exp3A_379, %max3A_386 : vector<4x128x128xf32>
    %add3A_388 = arith.addf %add3A_292, %mul3A_387 : vector<4x128x128xf32>
    %div3A_389 = arith.divf %mul3A_371, %add3A_360 : vector<4x128x128xf32>
    %div3A_390 = arith.divf %mul3A_372, %add3A_370 : vector<4x128x128xf32>
    %add3A_391 = arith.addf %div3A_389, %div3A_390 : vector<4x128x128xf32>
    %mul3A_392 = arith.constant -5.000000e-01 : f32
    %mul3A_393 = vector.broadcast %mul3A_392 : f32 to vector<4x128x128xf32>
    %mul3A_394 = arith.mulf %mul3A_393, %add3A_391 : vector<4x128x128xf32>
    %exp3A_395 = math.exp %mul3A_394 : vector<4x128x128xf32>
    %get3A_396 = arith.constant 0 : index
    %get3A_397 = arith.constant 2 : index
    %get3A_398 = arith.constant 1 : index
    %get3A_399 = vector.load %arg3[%get3A_396, %get3A_397, %get3A_398] : memref<4x132x132xf32, #tpu.memory_space<vmem>>, vector<4x128x128xf32>
    %max3A_400 = arith.constant 0.000000e+00 : f32
    %max3A_401 = vector.broadcast %max3A_400 : f32 to vector<4x128x128xf32>
    %max3A_402 = arith.maximumf %get3A_399, %max3A_401 : vector<4x128x128xf32>
    %mul3A_403 = arith.mulf %exp3A_395, %max3A_402 : vector<4x128x128xf32>
    %add3A_404 = arith.addf %add3A_308, %mul3A_403 : vector<4x128x128xf32>
    %get3A_405 = arith.constant 0 : index
    %get3A_406 = arith.constant 2 : index
    %get3A_407 = arith.constant 2 : index
    %get3A_408 = vector.load %arg0[%get3A_405, %get3A_406, %get3A_407] : memref<4x132x132xf32, #tpu.memory_space<vmem>>, vector<4x128x128xf32>
    %add3A_409 = arith.constant 5.000000e-01 : f32
    %add3A_410 = vector.broadcast %add3A_409 : f32 to vector<4x128x128xf32>
    %add3A_411 = arith.addf %get3A_408, %add3A_410 : vector<4x128x128xf32>
    %mul3A_412 = arith.constant 4.000000e-01 : f32
    %mul3A_413 = vector.broadcast %mul3A_412 : f32 to vector<4x128x128xf32>
    %mul3A_414 = arith.mulf %add3A_411, %mul3A_413 : vector<4x128x128xf32>
    %get3A_415 = arith.constant 0 : index
    %get3A_416 = arith.constant 2 : index
    %get3A_417 = arith.constant 2 : index
    %get3A_418 = vector.load %arg1[%get3A_415, %get3A_416, %get3A_417] : memref<4x132x132xf32, #tpu.memory_space<vmem>>, vector<4x128x128xf32>
    %add3A_419 = arith.constant 5.000000e-01 : f32
    %add3A_420 = vector.broadcast %add3A_419 : f32 to vector<4x128x128xf32>
    %add3A_421 = arith.addf %get3A_418, %add3A_420 : vector<4x128x128xf32>
    %mul3A_422 = arith.constant 4.000000e-01 : f32
    %mul3A_423 = vector.broadcast %mul3A_422 : f32 to vector<4x128x128xf32>
    %mul3A_424 = arith.mulf %add3A_421, %mul3A_423 : vector<4x128x128xf32>
    %sub3A_425 = arith.subf %convert_element_type3A, %mul3A_414 : vector<4x128x128xf32>
    %sub3A_426 = arith.subf %convert_element_type3A_22, %mul3A_424 : vector<4x128x128xf32>
    %get3A_427 = arith.constant 0 : index
    %get3A_428 = arith.constant 2 : index
    %get3A_429 = arith.constant 2 : index
    %get3A_430 = vector.load %arg4[%get3A_427, %get3A_428, %get3A_429] : memref<4x132x132xf32, #tpu.memory_space<vmem>>, vector<4x128x128xf32>
    %max3A_431 = arith.constant 0.000000e+00 : f32
    %max3A_432 = vector.broadcast %max3A_431 : f32 to vector<4x128x128xf32>
    %max3A_433 = arith.maximumf %get3A_430, %max3A_432 : vector<4x128x128xf32>
    %add3A_434 = arith.constant 1.000000e-01 : f32
    %add3A_435 = vector.broadcast %add3A_434 : f32 to vector<4x128x128xf32>
    %add3A_436 = arith.addf %max3A_433, %add3A_435 : vector<4x128x128xf32>
    %get3A_437 = arith.constant 0 : index
    %get3A_438 = arith.constant 2 : index
    %get3A_439 = arith.constant 2 : index
    %get3A_440 = vector.load %arg5[%get3A_437, %get3A_438, %get3A_439] : memref<4x132x132xf32, #tpu.memory_space<vmem>>, vector<4x128x128xf32>
    %max3A_441 = arith.constant 0.000000e+00 : f32
    %max3A_442 = vector.broadcast %max3A_441 : f32 to vector<4x128x128xf32>
    %max3A_443 = arith.maximumf %get3A_440, %max3A_442 : vector<4x128x128xf32>
    %add3A_444 = arith.constant 1.000000e-01 : f32
    %add3A_445 = vector.broadcast %add3A_444 : f32 to vector<4x128x128xf32>
    %add3A_446 = arith.addf %max3A_443, %add3A_445 : vector<4x128x128xf32>
    %get3A_447 = arith.constant 0 : index
    %get3A_448 = arith.constant 2 : index
    %get3A_449 = arith.constant 2 : index
    %get3A_450 = vector.load %arg6[%get3A_447, %get3A_448, %get3A_449] : memref<4x132x132xf32, #tpu.memory_space<vmem>>, vector<4x128x128xf32>
    %max3A_451 = arith.constant 0.000000e+00 : f32
    %max3A_452 = vector.broadcast %max3A_451 : f32 to vector<4x128x128xf32>
    %max3A_453 = arith.maximumf %get3A_450, %max3A_452 : vector<4x128x128xf32>
    %add3A_454 = arith.constant 1.000000e-01 : f32
    %add3A_455 = vector.broadcast %add3A_454 : f32 to vector<4x128x128xf32>
    %add3A_456 = arith.addf %max3A_453, %add3A_455 : vector<4x128x128xf32>
    %get3A_457 = arith.constant 0 : index
    %get3A_458 = arith.constant 2 : index
    %get3A_459 = arith.constant 2 : index
    %get3A_460 = vector.load %arg7[%get3A_457, %get3A_458, %get3A_459] : memref<4x132x132xf32, #tpu.memory_space<vmem>>, vector<4x128x128xf32>
    %max3A_461 = arith.constant 0.000000e+00 : f32
    %max3A_462 = vector.broadcast %max3A_461 : f32 to vector<4x128x128xf32>
    %max3A_463 = arith.maximumf %get3A_460, %max3A_462 : vector<4x128x128xf32>
    %add3A_464 = arith.constant 1.000000e-01 : f32
    %add3A_465 = vector.broadcast %add3A_464 : f32 to vector<4x128x128xf32>
    %add3A_466 = arith.addf %max3A_463, %add3A_465 : vector<4x128x128xf32>
    %mul3A_467 = arith.mulf %sub3A_425, %sub3A_425 : vector<4x128x128xf32>
    %mul3A_468 = arith.mulf %sub3A_426, %sub3A_426 : vector<4x128x128xf32>
    %div3A_469 = arith.divf %mul3A_467, %add3A_436 : vector<4x128x128xf32>
    %div3A_470 = arith.divf %mul3A_468, %add3A_446 : vector<4x128x128xf32>
    %add3A_471 = arith.addf %div3A_469, %div3A_470 : vector<4x128x128xf32>
    %mul3A_472 = arith.constant -5.000000e-01 : f32
    %mul3A_473 = vector.broadcast %mul3A_472 : f32 to vector<4x128x128xf32>
    %mul3A_474 = arith.mulf %mul3A_473, %add3A_471 : vector<4x128x128xf32>
    %exp3A_475 = math.exp %mul3A_474 : vector<4x128x128xf32>
    %get3A_476 = arith.constant 0 : index
    %get3A_477 = arith.constant 2 : index
    %get3A_478 = arith.constant 2 : index
    %get3A_479 = vector.load %arg2[%get3A_476, %get3A_477, %get3A_478] : memref<4x132x132xf32, #tpu.memory_space<vmem>>, vector<4x128x128xf32>
    %max3A_480 = arith.constant 0.000000e+00 : f32
    %max3A_481 = vector.broadcast %max3A_480 : f32 to vector<4x128x128xf32>
    %max3A_482 = arith.maximumf %get3A_479, %max3A_481 : vector<4x128x128xf32>
    %mul3A_483 = arith.mulf %exp3A_475, %max3A_482 : vector<4x128x128xf32>
    %add3A_484 = arith.addf %add3A_388, %mul3A_483 : vector<4x128x128xf32>
    %div3A_485 = arith.divf %mul3A_467, %add3A_456 : vector<4x128x128xf32>
    %div3A_486 = arith.divf %mul3A_468, %add3A_466 : vector<4x128x128xf32>
    %add3A_487 = arith.addf %div3A_485, %div3A_486 : vector<4x128x128xf32>
    %mul3A_488 = arith.constant -5.000000e-01 : f32
    %mul3A_489 = vector.broadcast %mul3A_488 : f32 to vector<4x128x128xf32>
    %mul3A_490 = arith.mulf %mul3A_489, %add3A_487 : vector<4x128x128xf32>
    %exp3A_491 = math.exp %mul3A_490 : vector<4x128x128xf32>
    %get3A_492 = arith.constant 0 : index
    %get3A_493 = arith.constant 2 : index
    %get3A_494 = arith.constant 2 : index
    %get3A_495 = vector.load %arg3[%get3A_492, %get3A_493, %get3A_494] : memref<4x132x132xf32, #tpu.memory_space<vmem>>, vector<4x128x128xf32>
    %max3A_496 = arith.constant 0.000000e+00 : f32
    %max3A_497 = vector.broadcast %max3A_496 : f32 to vector<4x128x128xf32>
    %max3A_498 = arith.maximumf %get3A_495, %max3A_497 : vector<4x128x128xf32>
    %mul3A_499 = arith.mulf %exp3A_491, %max3A_498 : vector<4x128x128xf32>
    %add3A_500 = arith.addf %add3A_404, %mul3A_499 : vector<4x128x128xf32>
    %get3A_501 = arith.constant 0 : index
    %get3A_502 = arith.constant 2 : index
    %get3A_503 = arith.constant 3 : index
    %get3A_504 = vector.load %arg0[%get3A_501, %get3A_502, %get3A_503] : memref<4x132x132xf32, #tpu.memory_space<vmem>>, vector<4x128x128xf32>
    %add3A_505 = arith.constant 5.000000e-01 : f32
    %add3A_506 = vector.broadcast %add3A_505 : f32 to vector<4x128x128xf32>
    %add3A_507 = arith.addf %get3A_504, %add3A_506 : vector<4x128x128xf32>
    %mul3A_508 = arith.constant 4.000000e-01 : f32
    %mul3A_509 = vector.broadcast %mul3A_508 : f32 to vector<4x128x128xf32>
    %mul3A_510 = arith.mulf %add3A_507, %mul3A_509 : vector<4x128x128xf32>
    %get3A_511 = arith.constant 0 : index
    %get3A_512 = arith.constant 2 : index
    %get3A_513 = arith.constant 3 : index
    %get3A_514 = vector.load %arg1[%get3A_511, %get3A_512, %get3A_513] : memref<4x132x132xf32, #tpu.memory_space<vmem>>, vector<4x128x128xf32>
    %add3A_515 = arith.constant 5.000000e-01 : f32
    %add3A_516 = vector.broadcast %add3A_515 : f32 to vector<4x128x128xf32>
    %add3A_517 = arith.addf %get3A_514, %add3A_516 : vector<4x128x128xf32>
    %mul3A_518 = arith.constant 4.000000e-01 : f32
    %mul3A_519 = vector.broadcast %mul3A_518 : f32 to vector<4x128x128xf32>
    %mul3A_520 = arith.mulf %add3A_517, %mul3A_519 : vector<4x128x128xf32>
    %sub3A_521 = arith.subf %convert_element_type3A, %mul3A_510 : vector<4x128x128xf32>
    %sub3A_522 = arith.subf %convert_element_type3A_22, %mul3A_520 : vector<4x128x128xf32>
    %get3A_523 = arith.constant 0 : index
    %get3A_524 = arith.constant 2 : index
    %get3A_525 = arith.constant 3 : index
    %get3A_526 = vector.load %arg4[%get3A_523, %get3A_524, %get3A_525] : memref<4x132x132xf32, #tpu.memory_space<vmem>>, vector<4x128x128xf32>
    %max3A_527 = arith.constant 0.000000e+00 : f32
    %max3A_528 = vector.broadcast %max3A_527 : f32 to vector<4x128x128xf32>
    %max3A_529 = arith.maximumf %get3A_526, %max3A_528 : vector<4x128x128xf32>
    %add3A_530 = arith.constant 1.000000e-01 : f32
    %add3A_531 = vector.broadcast %add3A_530 : f32 to vector<4x128x128xf32>
    %add3A_532 = arith.addf %max3A_529, %add3A_531 : vector<4x128x128xf32>
    %get3A_533 = arith.constant 0 : index
    %get3A_534 = arith.constant 2 : index
    %get3A_535 = arith.constant 3 : index
    %get3A_536 = vector.load %arg5[%get3A_533, %get3A_534, %get3A_535] : memref<4x132x132xf32, #tpu.memory_space<vmem>>, vector<4x128x128xf32>
    %max3A_537 = arith.constant 0.000000e+00 : f32
    %max3A_538 = vector.broadcast %max3A_537 : f32 to vector<4x128x128xf32>
    %max3A_539 = arith.maximumf %get3A_536, %max3A_538 : vector<4x128x128xf32>
    %add3A_540 = arith.constant 1.000000e-01 : f32
    %add3A_541 = vector.broadcast %add3A_540 : f32 to vector<4x128x128xf32>
    %add3A_542 = arith.addf %max3A_539, %add3A_541 : vector<4x128x128xf32>
    %get3A_543 = arith.constant 0 : index
    %get3A_544 = arith.constant 2 : index
    %get3A_545 = arith.constant 3 : index
    %get3A_546 = vector.load %arg6[%get3A_543, %get3A_544, %get3A_545] : memref<4x132x132xf32, #tpu.memory_space<vmem>>, vector<4x128x128xf32>
    %max3A_547 = arith.constant 0.000000e+00 : f32
    %max3A_548 = vector.broadcast %max3A_547 : f32 to vector<4x128x128xf32>
    %max3A_549 = arith.maximumf %get3A_546, %max3A_548 : vector<4x128x128xf32>
    %add3A_550 = arith.constant 1.000000e-01 : f32
    %add3A_551 = vector.broadcast %add3A_550 : f32 to vector<4x128x128xf32>
    %add3A_552 = arith.addf %max3A_549, %add3A_551 : vector<4x128x128xf32>
    %get3A_553 = arith.constant 0 : index
    %get3A_554 = arith.constant 2 : index
    %get3A_555 = arith.constant 3 : index
    %get3A_556 = vector.load %arg7[%get3A_553, %get3A_554, %get3A_555] : memref<4x132x132xf32, #tpu.memory_space<vmem>>, vector<4x128x128xf32>
    %max3A_557 = arith.constant 0.000000e+00 : f32
    %max3A_558 = vector.broadcast %max3A_557 : f32 to vector<4x128x128xf32>
    %max3A_559 = arith.maximumf %get3A_556, %max3A_558 : vector<4x128x128xf32>
    %add3A_560 = arith.constant 1.000000e-01 : f32
    %add3A_561 = vector.broadcast %add3A_560 : f32 to vector<4x128x128xf32>
    %add3A_562 = arith.addf %max3A_559, %add3A_561 : vector<4x128x128xf32>
    %mul3A_563 = arith.mulf %sub3A_521, %sub3A_521 : vector<4x128x128xf32>
    %mul3A_564 = arith.mulf %sub3A_522, %sub3A_522 : vector<4x128x128xf32>
    %div3A_565 = arith.divf %mul3A_563, %add3A_532 : vector<4x128x128xf32>
    %div3A_566 = arith.divf %mul3A_564, %add3A_542 : vector<4x128x128xf32>
    %add3A_567 = arith.addf %div3A_565, %div3A_566 : vector<4x128x128xf32>
    %mul3A_568 = arith.constant -5.000000e-01 : f32
    %mul3A_569 = vector.broadcast %mul3A_568 : f32 to vector<4x128x128xf32>
    %mul3A_570 = arith.mulf %mul3A_569, %add3A_567 : vector<4x128x128xf32>
    %exp3A_571 = math.exp %mul3A_570 : vector<4x128x128xf32>
    %get3A_572 = arith.constant 0 : index
    %get3A_573 = arith.constant 2 : index
    %get3A_574 = arith.constant 3 : index
    %get3A_575 = vector.load %arg2[%get3A_572, %get3A_573, %get3A_574] : memref<4x132x132xf32, #tpu.memory_space<vmem>>, vector<4x128x128xf32>
    %max3A_576 = arith.constant 0.000000e+00 : f32
    %max3A_577 = vector.broadcast %max3A_576 : f32 to vector<4x128x128xf32>
    %max3A_578 = arith.maximumf %get3A_575, %max3A_577 : vector<4x128x128xf32>
    %mul3A_579 = arith.mulf %exp3A_571, %max3A_578 : vector<4x128x128xf32>
    %add3A_580 = arith.addf %add3A_484, %mul3A_579 : vector<4x128x128xf32>
    %div3A_581 = arith.divf %mul3A_563, %add3A_552 : vector<4x128x128xf32>
    %div3A_582 = arith.divf %mul3A_564, %add3A_562 : vector<4x128x128xf32>
    %add3A_583 = arith.addf %div3A_581, %div3A_582 : vector<4x128x128xf32>
    %mul3A_584 = arith.constant -5.000000e-01 : f32
    %mul3A_585 = vector.broadcast %mul3A_584 : f32 to vector<4x128x128xf32>
    %mul3A_586 = arith.mulf %mul3A_585, %add3A_583 : vector<4x128x128xf32>
    %exp3A_587 = math.exp %mul3A_586 : vector<4x128x128xf32>
    %get3A_588 = arith.constant 0 : index
    %get3A_589 = arith.constant 2 : index
    %get3A_590 = arith.constant 3 : index
    %get3A_591 = vector.load %arg3[%get3A_588, %get3A_589, %get3A_590] : memref<4x132x132xf32, #tpu.memory_space<vmem>>, vector<4x128x128xf32>
    %max3A_592 = arith.constant 0.000000e+00 : f32
    %max3A_593 = vector.broadcast %max3A_592 : f32 to vector<4x128x128xf32>
    %max3A_594 = arith.maximumf %get3A_591, %max3A_593 : vector<4x128x128xf32>
    %mul3A_595 = arith.mulf %exp3A_587, %max3A_594 : vector<4x128x128xf32>
    %add3A_596 = arith.addf %add3A_500, %mul3A_595 : vector<4x128x128xf32>
    %get3A_597 = arith.constant 0 : index
    %get3A_598 = arith.constant 3 : index
    %get3A_599 = arith.constant 1 : index
    %get3A_600 = vector.load %arg0[%get3A_597, %get3A_598, %get3A_599] : memref<4x132x132xf32, #tpu.memory_space<vmem>>, vector<4x128x128xf32>
    %add3A_601 = arith.constant 5.000000e-01 : f32
    %add3A_602 = vector.broadcast %add3A_601 : f32 to vector<4x128x128xf32>
    %add3A_603 = arith.addf %get3A_600, %add3A_602 : vector<4x128x128xf32>
    %mul3A_604 = arith.constant 4.000000e-01 : f32
    %mul3A_605 = vector.broadcast %mul3A_604 : f32 to vector<4x128x128xf32>
    %mul3A_606 = arith.mulf %add3A_603, %mul3A_605 : vector<4x128x128xf32>
    %get3A_607 = arith.constant 0 : index
    %get3A_608 = arith.constant 3 : index
    %get3A_609 = arith.constant 1 : index
    %get3A_610 = vector.load %arg1[%get3A_607, %get3A_608, %get3A_609] : memref<4x132x132xf32, #tpu.memory_space<vmem>>, vector<4x128x128xf32>
    %add3A_611 = arith.constant 5.000000e-01 : f32
    %add3A_612 = vector.broadcast %add3A_611 : f32 to vector<4x128x128xf32>
    %add3A_613 = arith.addf %get3A_610, %add3A_612 : vector<4x128x128xf32>
    %mul3A_614 = arith.constant 4.000000e-01 : f32
    %mul3A_615 = vector.broadcast %mul3A_614 : f32 to vector<4x128x128xf32>
    %mul3A_616 = arith.mulf %add3A_613, %mul3A_615 : vector<4x128x128xf32>
    %sub3A_617 = arith.subf %convert_element_type3A, %mul3A_606 : vector<4x128x128xf32>
    %sub3A_618 = arith.subf %convert_element_type3A_22, %mul3A_616 : vector<4x128x128xf32>
    %get3A_619 = arith.constant 0 : index
    %get3A_620 = arith.constant 3 : index
    %get3A_621 = arith.constant 1 : index
    %get3A_622 = vector.load %arg4[%get3A_619, %get3A_620, %get3A_621] : memref<4x132x132xf32, #tpu.memory_space<vmem>>, vector<4x128x128xf32>
    %max3A_623 = arith.constant 0.000000e+00 : f32
    %max3A_624 = vector.broadcast %max3A_623 : f32 to vector<4x128x128xf32>
    %max3A_625 = arith.maximumf %get3A_622, %max3A_624 : vector<4x128x128xf32>
    %add3A_626 = arith.constant 1.000000e-01 : f32
    %add3A_627 = vector.broadcast %add3A_626 : f32 to vector<4x128x128xf32>
    %add3A_628 = arith.addf %max3A_625, %add3A_627 : vector<4x128x128xf32>
    %get3A_629 = arith.constant 0 : index
    %get3A_630 = arith.constant 3 : index
    %get3A_631 = arith.constant 1 : index
    %get3A_632 = vector.load %arg5[%get3A_629, %get3A_630, %get3A_631] : memref<4x132x132xf32, #tpu.memory_space<vmem>>, vector<4x128x128xf32>
    %max3A_633 = arith.constant 0.000000e+00 : f32
    %max3A_634 = vector.broadcast %max3A_633 : f32 to vector<4x128x128xf32>
    %max3A_635 = arith.maximumf %get3A_632, %max3A_634 : vector<4x128x128xf32>
    %add3A_636 = arith.constant 1.000000e-01 : f32
    %add3A_637 = vector.broadcast %add3A_636 : f32 to vector<4x128x128xf32>
    %add3A_638 = arith.addf %max3A_635, %add3A_637 : vector<4x128x128xf32>
    %get3A_639 = arith.constant 0 : index
    %get3A_640 = arith.constant 3 : index
    %get3A_641 = arith.constant 1 : index
    %get3A_642 = vector.load %arg6[%get3A_639, %get3A_640, %get3A_641] : memref<4x132x132xf32, #tpu.memory_space<vmem>>, vector<4x128x128xf32>
    %max3A_643 = arith.constant 0.000000e+00 : f32
    %max3A_644 = vector.broadcast %max3A_643 : f32 to vector<4x128x128xf32>
    %max3A_645 = arith.maximumf %get3A_642, %max3A_644 : vector<4x128x128xf32>
    %add3A_646 = arith.constant 1.000000e-01 : f32
    %add3A_647 = vector.broadcast %add3A_646 : f32 to vector<4x128x128xf32>
    %add3A_648 = arith.addf %max3A_645, %add3A_647 : vector<4x128x128xf32>
    %get3A_649 = arith.constant 0 : index
    %get3A_650 = arith.constant 3 : index
    %get3A_651 = arith.constant 1 : index
    %get3A_652 = vector.load %arg7[%get3A_649, %get3A_650, %get3A_651] : memref<4x132x132xf32, #tpu.memory_space<vmem>>, vector<4x128x128xf32>
    %max3A_653 = arith.constant 0.000000e+00 : f32
    %max3A_654 = vector.broadcast %max3A_653 : f32 to vector<4x128x128xf32>
    %max3A_655 = arith.maximumf %get3A_652, %max3A_654 : vector<4x128x128xf32>
    %add3A_656 = arith.constant 1.000000e-01 : f32
    %add3A_657 = vector.broadcast %add3A_656 : f32 to vector<4x128x128xf32>
    %add3A_658 = arith.addf %max3A_655, %add3A_657 : vector<4x128x128xf32>
    %mul3A_659 = arith.mulf %sub3A_617, %sub3A_617 : vector<4x128x128xf32>
    %mul3A_660 = arith.mulf %sub3A_618, %sub3A_618 : vector<4x128x128xf32>
    %div3A_661 = arith.divf %mul3A_659, %add3A_628 : vector<4x128x128xf32>
    %div3A_662 = arith.divf %mul3A_660, %add3A_638 : vector<4x128x128xf32>
    %add3A_663 = arith.addf %div3A_661, %div3A_662 : vector<4x128x128xf32>
    %mul3A_664 = arith.constant -5.000000e-01 : f32
    %mul3A_665 = vector.broadcast %mul3A_664 : f32 to vector<4x128x128xf32>
    %mul3A_666 = arith.mulf %mul3A_665, %add3A_663 : vector<4x128x128xf32>
    %exp3A_667 = math.exp %mul3A_666 : vector<4x128x128xf32>
    %get3A_668 = arith.constant 0 : index
    %get3A_669 = arith.constant 3 : index
    %get3A_670 = arith.constant 1 : index
    %get3A_671 = vector.load %arg2[%get3A_668, %get3A_669, %get3A_670] : memref<4x132x132xf32, #tpu.memory_space<vmem>>, vector<4x128x128xf32>
    %max3A_672 = arith.constant 0.000000e+00 : f32
    %max3A_673 = vector.broadcast %max3A_672 : f32 to vector<4x128x128xf32>
    %max3A_674 = arith.maximumf %get3A_671, %max3A_673 : vector<4x128x128xf32>
    %mul3A_675 = arith.mulf %exp3A_667, %max3A_674 : vector<4x128x128xf32>
    %add3A_676 = arith.addf %add3A_580, %mul3A_675 : vector<4x128x128xf32>
    %div3A_677 = arith.divf %mul3A_659, %add3A_648 : vector<4x128x128xf32>
    %div3A_678 = arith.divf %mul3A_660, %add3A_658 : vector<4x128x128xf32>
    %add3A_679 = arith.addf %div3A_677, %div3A_678 : vector<4x128x128xf32>
    %mul3A_680 = arith.constant -5.000000e-01 : f32
    %mul3A_681 = vector.broadcast %mul3A_680 : f32 to vector<4x128x128xf32>
    %mul3A_682 = arith.mulf %mul3A_681, %add3A_679 : vector<4x128x128xf32>
    %exp3A_683 = math.exp %mul3A_682 : vector<4x128x128xf32>
    %get3A_684 = arith.constant 0 : index
    %get3A_685 = arith.constant 3 : index
    %get3A_686 = arith.constant 1 : index
    %get3A_687 = vector.load %arg3[%get3A_684, %get3A_685, %get3A_686] : memref<4x132x132xf32, #tpu.memory_space<vmem>>, vector<4x128x128xf32>
    %max3A_688 = arith.constant 0.000000e+00 : f32
    %max3A_689 = vector.broadcast %max3A_688 : f32 to vector<4x128x128xf32>
    %max3A_690 = arith.maximumf %get3A_687, %max3A_689 : vector<4x128x128xf32>
    %mul3A_691 = arith.mulf %exp3A_683, %max3A_690 : vector<4x128x128xf32>
    %add3A_692 = arith.addf %add3A_596, %mul3A_691 : vector<4x128x128xf32>
    %get3A_693 = arith.constant 0 : index
    %get3A_694 = arith.constant 3 : index
    %get3A_695 = arith.constant 2 : index
    %get3A_696 = vector.load %arg0[%get3A_693, %get3A_694, %get3A_695] : memref<4x132x132xf32, #tpu.memory_space<vmem>>, vector<4x128x128xf32>
    %add3A_697 = arith.constant 5.000000e-01 : f32
    %add3A_698 = vector.broadcast %add3A_697 : f32 to vector<4x128x128xf32>
    %add3A_699 = arith.addf %get3A_696, %add3A_698 : vector<4x128x128xf32>
    %mul3A_700 = arith.constant 4.000000e-01 : f32
    %mul3A_701 = vector.broadcast %mul3A_700 : f32 to vector<4x128x128xf32>
    %mul3A_702 = arith.mulf %add3A_699, %mul3A_701 : vector<4x128x128xf32>
    %get3A_703 = arith.constant 0 : index
    %get3A_704 = arith.constant 3 : index
    %get3A_705 = arith.constant 2 : index
    %get3A_706 = vector.load %arg1[%get3A_703, %get3A_704, %get3A_705] : memref<4x132x132xf32, #tpu.memory_space<vmem>>, vector<4x128x128xf32>
    %add3A_707 = arith.constant 5.000000e-01 : f32
    %add3A_708 = vector.broadcast %add3A_707 : f32 to vector<4x128x128xf32>
    %add3A_709 = arith.addf %get3A_706, %add3A_708 : vector<4x128x128xf32>
    %mul3A_710 = arith.constant 4.000000e-01 : f32
    %mul3A_711 = vector.broadcast %mul3A_710 : f32 to vector<4x128x128xf32>
    %mul3A_712 = arith.mulf %add3A_709, %mul3A_711 : vector<4x128x128xf32>
    %sub3A_713 = arith.subf %convert_element_type3A, %mul3A_702 : vector<4x128x128xf32>
    %sub3A_714 = arith.subf %convert_element_type3A_22, %mul3A_712 : vector<4x128x128xf32>
    %get3A_715 = arith.constant 0 : index
    %get3A_716 = arith.constant 3 : index
    %get3A_717 = arith.constant 2 : index
    %get3A_718 = vector.load %arg4[%get3A_715, %get3A_716, %get3A_717] : memref<4x132x132xf32, #tpu.memory_space<vmem>>, vector<4x128x128xf32>
    %max3A_719 = arith.constant 0.000000e+00 : f32
    %max3A_720 = vector.broadcast %max3A_719 : f32 to vector<4x128x128xf32>
    %max3A_721 = arith.maximumf %get3A_718, %max3A_720 : vector<4x128x128xf32>
    %add3A_722 = arith.constant 1.000000e-01 : f32
    %add3A_723 = vector.broadcast %add3A_722 : f32 to vector<4x128x128xf32>
    %add3A_724 = arith.addf %max3A_721, %add3A_723 : vector<4x128x128xf32>
    %get3A_725 = arith.constant 0 : index
    %get3A_726 = arith.constant 3 : index
    %get3A_727 = arith.constant 2 : index
    %get3A_728 = vector.load %arg5[%get3A_725, %get3A_726, %get3A_727] : memref<4x132x132xf32, #tpu.memory_space<vmem>>, vector<4x128x128xf32>
    %max3A_729 = arith.constant 0.000000e+00 : f32
    %max3A_730 = vector.broadcast %max3A_729 : f32 to vector<4x128x128xf32>
    %max3A_731 = arith.maximumf %get3A_728, %max3A_730 : vector<4x128x128xf32>
    %add3A_732 = arith.constant 1.000000e-01 : f32
    %add3A_733 = vector.broadcast %add3A_732 : f32 to vector<4x128x128xf32>
    %add3A_734 = arith.addf %max3A_731, %add3A_733 : vector<4x128x128xf32>
    %get3A_735 = arith.constant 0 : index
    %get3A_736 = arith.constant 3 : index
    %get3A_737 = arith.constant 2 : index
    %get3A_738 = vector.load %arg6[%get3A_735, %get3A_736, %get3A_737] : memref<4x132x132xf32, #tpu.memory_space<vmem>>, vector<4x128x128xf32>
    %max3A_739 = arith.constant 0.000000e+00 : f32
    %max3A_740 = vector.broadcast %max3A_739 : f32 to vector<4x128x128xf32>
    %max3A_741 = arith.maximumf %get3A_738, %max3A_740 : vector<4x128x128xf32>
    %add3A_742 = arith.constant 1.000000e-01 : f32
    %add3A_743 = vector.broadcast %add3A_742 : f32 to vector<4x128x128xf32>
    %add3A_744 = arith.addf %max3A_741, %add3A_743 : vector<4x128x128xf32>
    %get3A_745 = arith.constant 0 : index
    %get3A_746 = arith.constant 3 : index
    %get3A_747 = arith.constant 2 : index
    %get3A_748 = vector.load %arg7[%get3A_745, %get3A_746, %get3A_747] : memref<4x132x132xf32, #tpu.memory_space<vmem>>, vector<4x128x128xf32>
    %max3A_749 = arith.constant 0.000000e+00 : f32
    %max3A_750 = vector.broadcast %max3A_749 : f32 to vector<4x128x128xf32>
    %max3A_751 = arith.maximumf %get3A_748, %max3A_750 : vector<4x128x128xf32>
    %add3A_752 = arith.constant 1.000000e-01 : f32
    %add3A_753 = vector.broadcast %add3A_752 : f32 to vector<4x128x128xf32>
    %add3A_754 = arith.addf %max3A_751, %add3A_753 : vector<4x128x128xf32>
    %mul3A_755 = arith.mulf %sub3A_713, %sub3A_713 : vector<4x128x128xf32>
    %mul3A_756 = arith.mulf %sub3A_714, %sub3A_714 : vector<4x128x128xf32>
    %div3A_757 = arith.divf %mul3A_755, %add3A_724 : vector<4x128x128xf32>
    %div3A_758 = arith.divf %mul3A_756, %add3A_734 : vector<4x128x128xf32>
    %add3A_759 = arith.addf %div3A_757, %div3A_758 : vector<4x128x128xf32>
    %mul3A_760 = arith.constant -5.000000e-01 : f32
    %mul3A_761 = vector.broadcast %mul3A_760 : f32 to vector<4x128x128xf32>
    %mul3A_762 = arith.mulf %mul3A_761, %add3A_759 : vector<4x128x128xf32>
    %exp3A_763 = math.exp %mul3A_762 : vector<4x128x128xf32>
    %get3A_764 = arith.constant 0 : index
    %get3A_765 = arith.constant 3 : index
    %get3A_766 = arith.constant 2 : index
    %get3A_767 = vector.load %arg2[%get3A_764, %get3A_765, %get3A_766] : memref<4x132x132xf32, #tpu.memory_space<vmem>>, vector<4x128x128xf32>
    %max3A_768 = arith.constant 0.000000e+00 : f32
    %max3A_769 = vector.broadcast %max3A_768 : f32 to vector<4x128x128xf32>
    %max3A_770 = arith.maximumf %get3A_767, %max3A_769 : vector<4x128x128xf32>
    %mul3A_771 = arith.mulf %exp3A_763, %max3A_770 : vector<4x128x128xf32>
    %add3A_772 = arith.addf %add3A_676, %mul3A_771 : vector<4x128x128xf32>
    %div3A_773 = arith.divf %mul3A_755, %add3A_744 : vector<4x128x128xf32>
    %div3A_774 = arith.divf %mul3A_756, %add3A_754 : vector<4x128x128xf32>
    %add3A_775 = arith.addf %div3A_773, %div3A_774 : vector<4x128x128xf32>
    %mul3A_776 = arith.constant -5.000000e-01 : f32
    %mul3A_777 = vector.broadcast %mul3A_776 : f32 to vector<4x128x128xf32>
    %mul3A_778 = arith.mulf %mul3A_777, %add3A_775 : vector<4x128x128xf32>
    %exp3A_779 = math.exp %mul3A_778 : vector<4x128x128xf32>
    %get3A_780 = arith.constant 0 : index
    %get3A_781 = arith.constant 3 : index
    %get3A_782 = arith.constant 2 : index
    %get3A_783 = vector.load %arg3[%get3A_780, %get3A_781, %get3A_782] : memref<4x132x132xf32, #tpu.memory_space<vmem>>, vector<4x128x128xf32>
    %max3A_784 = arith.constant 0.000000e+00 : f32
    %max3A_785 = vector.broadcast %max3A_784 : f32 to vector<4x128x128xf32>
    %max3A_786 = arith.maximumf %get3A_783, %max3A_785 : vector<4x128x128xf32>
    %mul3A_787 = arith.mulf %exp3A_779, %max3A_786 : vector<4x128x128xf32>
    %add3A_788 = arith.addf %add3A_692, %mul3A_787 : vector<4x128x128xf32>
    %get3A_789 = arith.constant 0 : index
    %get3A_790 = arith.constant 3 : index
    %get3A_791 = arith.constant 3 : index
    %get3A_792 = vector.load %arg0[%get3A_789, %get3A_790, %get3A_791] : memref<4x132x132xf32, #tpu.memory_space<vmem>>, vector<4x128x128xf32>
    %add3A_793 = arith.constant 5.000000e-01 : f32
    %add3A_794 = vector.broadcast %add3A_793 : f32 to vector<4x128x128xf32>
    %add3A_795 = arith.addf %get3A_792, %add3A_794 : vector<4x128x128xf32>
    %mul3A_796 = arith.constant 4.000000e-01 : f32
    %mul3A_797 = vector.broadcast %mul3A_796 : f32 to vector<4x128x128xf32>
    %mul3A_798 = arith.mulf %add3A_795, %mul3A_797 : vector<4x128x128xf32>
    %get3A_799 = arith.constant 0 : index
    %get3A_800 = arith.constant 3 : index
    %get3A_801 = arith.constant 3 : index
    %get3A_802 = vector.load %arg1[%get3A_799, %get3A_800, %get3A_801] : memref<4x132x132xf32, #tpu.memory_space<vmem>>, vector<4x128x128xf32>
    %add3A_803 = arith.constant 5.000000e-01 : f32
    %add3A_804 = vector.broadcast %add3A_803 : f32 to vector<4x128x128xf32>
    %add3A_805 = arith.addf %get3A_802, %add3A_804 : vector<4x128x128xf32>
    %mul3A_806 = arith.constant 4.000000e-01 : f32
    %mul3A_807 = vector.broadcast %mul3A_806 : f32 to vector<4x128x128xf32>
    %mul3A_808 = arith.mulf %add3A_805, %mul3A_807 : vector<4x128x128xf32>
    %sub3A_809 = arith.subf %convert_element_type3A, %mul3A_798 : vector<4x128x128xf32>
    %sub3A_810 = arith.subf %convert_element_type3A_22, %mul3A_808 : vector<4x128x128xf32>
    %get3A_811 = arith.constant 0 : index
    %get3A_812 = arith.constant 3 : index
    %get3A_813 = arith.constant 3 : index
    %get3A_814 = vector.load %arg4[%get3A_811, %get3A_812, %get3A_813] : memref<4x132x132xf32, #tpu.memory_space<vmem>>, vector<4x128x128xf32>
    %max3A_815 = arith.constant 0.000000e+00 : f32
    %max3A_816 = vector.broadcast %max3A_815 : f32 to vector<4x128x128xf32>
    %max3A_817 = arith.maximumf %get3A_814, %max3A_816 : vector<4x128x128xf32>
    %add3A_818 = arith.constant 1.000000e-01 : f32
    %add3A_819 = vector.broadcast %add3A_818 : f32 to vector<4x128x128xf32>
    %add3A_820 = arith.addf %max3A_817, %add3A_819 : vector<4x128x128xf32>
    %get3A_821 = arith.constant 0 : index
    %get3A_822 = arith.constant 3 : index
    %get3A_823 = arith.constant 3 : index
    %get3A_824 = vector.load %arg5[%get3A_821, %get3A_822, %get3A_823] : memref<4x132x132xf32, #tpu.memory_space<vmem>>, vector<4x128x128xf32>
    %max3A_825 = arith.constant 0.000000e+00 : f32
    %max3A_826 = vector.broadcast %max3A_825 : f32 to vector<4x128x128xf32>
    %max3A_827 = arith.maximumf %get3A_824, %max3A_826 : vector<4x128x128xf32>
    %add3A_828 = arith.constant 1.000000e-01 : f32
    %add3A_829 = vector.broadcast %add3A_828 : f32 to vector<4x128x128xf32>
    %add3A_830 = arith.addf %max3A_827, %add3A_829 : vector<4x128x128xf32>
    %get3A_831 = arith.constant 0 : index
    %get3A_832 = arith.constant 3 : index
    %get3A_833 = arith.constant 3 : index
    %get3A_834 = vector.load %arg6[%get3A_831, %get3A_832, %get3A_833] : memref<4x132x132xf32, #tpu.memory_space<vmem>>, vector<4x128x128xf32>
    %max3A_835 = arith.constant 0.000000e+00 : f32
    %max3A_836 = vector.broadcast %max3A_835 : f32 to vector<4x128x128xf32>
    %max3A_837 = arith.maximumf %get3A_834, %max3A_836 : vector<4x128x128xf32>
    %add3A_838 = arith.constant 1.000000e-01 : f32
    %add3A_839 = vector.broadcast %add3A_838 : f32 to vector<4x128x128xf32>
    %add3A_840 = arith.addf %max3A_837, %add3A_839 : vector<4x128x128xf32>
    %get3A_841 = arith.constant 0 : index
    %get3A_842 = arith.constant 3 : index
    %get3A_843 = arith.constant 3 : index
    %get3A_844 = vector.load %arg7[%get3A_841, %get3A_842, %get3A_843] : memref<4x132x132xf32, #tpu.memory_space<vmem>>, vector<4x128x128xf32>
    %max3A_845 = arith.constant 0.000000e+00 : f32
    %max3A_846 = vector.broadcast %max3A_845 : f32 to vector<4x128x128xf32>
    %max3A_847 = arith.maximumf %get3A_844, %max3A_846 : vector<4x128x128xf32>
    %add3A_848 = arith.constant 1.000000e-01 : f32
    %add3A_849 = vector.broadcast %add3A_848 : f32 to vector<4x128x128xf32>
    %add3A_850 = arith.addf %max3A_847, %add3A_849 : vector<4x128x128xf32>
    %mul3A_851 = arith.mulf %sub3A_809, %sub3A_809 : vector<4x128x128xf32>
    %mul3A_852 = arith.mulf %sub3A_810, %sub3A_810 : vector<4x128x128xf32>
    %div3A_853 = arith.divf %mul3A_851, %add3A_820 : vector<4x128x128xf32>
    %div3A_854 = arith.divf %mul3A_852, %add3A_830 : vector<4x128x128xf32>
    %add3A_855 = arith.addf %div3A_853, %div3A_854 : vector<4x128x128xf32>
    %mul3A_856 = arith.constant -5.000000e-01 : f32
    %mul3A_857 = vector.broadcast %mul3A_856 : f32 to vector<4x128x128xf32>
    %mul3A_858 = arith.mulf %mul3A_857, %add3A_855 : vector<4x128x128xf32>
    %exp3A_859 = math.exp %mul3A_858 : vector<4x128x128xf32>
    %get3A_860 = arith.constant 0 : index
    %get3A_861 = arith.constant 3 : index
    %get3A_862 = arith.constant 3 : index
    %get3A_863 = vector.load %arg2[%get3A_860, %get3A_861, %get3A_862] : memref<4x132x132xf32, #tpu.memory_space<vmem>>, vector<4x128x128xf32>
    %max3A_864 = arith.constant 0.000000e+00 : f32
    %max3A_865 = vector.broadcast %max3A_864 : f32 to vector<4x128x128xf32>
    %max3A_866 = arith.maximumf %get3A_863, %max3A_865 : vector<4x128x128xf32>
    %mul3A_867 = arith.mulf %exp3A_859, %max3A_866 : vector<4x128x128xf32>
    %add3A_868 = arith.addf %add3A_772, %mul3A_867 : vector<4x128x128xf32>
    %div3A_869 = arith.divf %mul3A_851, %add3A_840 : vector<4x128x128xf32>
    %div3A_870 = arith.divf %mul3A_852, %add3A_850 : vector<4x128x128xf32>
    %add3A_871 = arith.addf %div3A_869, %div3A_870 : vector<4x128x128xf32>
    %mul3A_872 = arith.constant -5.000000e-01 : f32
    %mul3A_873 = vector.broadcast %mul3A_872 : f32 to vector<4x128x128xf32>
    %mul3A_874 = arith.mulf %mul3A_873, %add3A_871 : vector<4x128x128xf32>
    %exp3A_875 = math.exp %mul3A_874 : vector<4x128x128xf32>
    %get3A_876 = arith.constant 0 : index
    %get3A_877 = arith.constant 3 : index
    %get3A_878 = arith.constant 3 : index
    %get3A_879 = vector.load %arg3[%get3A_876, %get3A_877, %get3A_878] : memref<4x132x132xf32, #tpu.memory_space<vmem>>, vector<4x128x128xf32>
    %max3A_880 = arith.constant 0.000000e+00 : f32
    %max3A_881 = vector.broadcast %max3A_880 : f32 to vector<4x128x128xf32>
    %max3A_882 = arith.maximumf %get3A_879, %max3A_881 : vector<4x128x128xf32>
    %mul3A_883 = arith.mulf %exp3A_875, %max3A_882 : vector<4x128x128xf32>
    %add3A_884 = arith.addf %add3A_788, %mul3A_883 : vector<4x128x128xf32>
    %swap3A = arith.constant 0 : index
    %swap3A_885 = arith.constant 0 : index
    %swap3A_886 = arith.constant 0 : index
    %swap3A_887 = vector.load %arg8[%swap3A, %swap3A_885, %swap3A_886] : memref<4x128x128xf32, #tpu.memory_space<vmem>>, vector<4x128x128xf32>
    tpu.vector_store %arg8[%swap3A, %swap3A_885, %swap3A_886], %add3A_868 {strides = array<i32>} : memref<4x128x128xf32, #tpu.memory_space<vmem>>, vector<4x128x128xf32>,
    %swap3A_888 = arith.constant 0 : index
    %swap3A_889 = arith.constant 0 : index
    %swap3A_890 = arith.constant 0 : index
    %swap3A_891 = vector.load %arg9[%swap3A_888, %swap3A_889, %swap3A_890] : memref<4x128x128xf32, #tpu.memory_space<vmem>>, vector<4x128x128xf32>
    tpu.vector_store %arg9[%swap3A_888, %swap3A_889, %swap3A_890], %add3A_884 {strides = array<i32>} : memref<4x128x128xf32, #tpu.memory_space<vmem>>, vector<4x128x128xf32>,
    return
  }
}

</mosaic_0001>

<sc_bundles>
// kernel: kernel.5.cloned.1.call-start
scs
__scs_entry_jumppad:
0x0: {  	(pc) =	sbr.rel $0x88, $3  }
0x1: {  	(tag) =	ssettag $0x0;
	lr =	simm.s32 $0x1  }
0x2: {  	[smem:$0x3F9E] =	sst lr;
	_ =	strace $0xD0000000  }
0x3: {  	_ = 	snop  }
0x4: {  	_ = 	snop  }
0x5: {  	_ = 	snop  }
0x6: {  	_ = 	snop  }
0x7: {  	_ = 	snop  }
__scs_overlays_trampoline_lowered:
0x8: {  	[smem:$0x3FAD] =	sst s0  }
0x9: {  	[smem:$0x3FAE] =	sst s1  }
0xa: {  	[smem:$0x3FAF] =	sst s2  }
0xb: {  	[smem:$0x3FB0] =	sst s3  }
0xc: {  	[smem:$0x3FB1] =	sst s4  }
0xd: {  	[smem:$0x3FB2] =	sst s5  }
0xe: {  	[smem:$0x3FB3] =	sst s6  }
0xf: {  	[smem:$0x3FB4] =	sst s7  }
0x10: {  	[smem:$0x3FB5] =	sst s8  }
0x11: {  	[smem:$0x3FB6] =	sst s9;
	s0 =	simm.s32 @!p0 $0x0  }
0x12: {  	s1 =	sld [smem:$0x3F9C];
	s0 =	simm.s32 @p0 $0x1  }
0x13: {  	[smem:$0x3FB7] =	sst s0;
	s0 =	simm.s32 @!p1 $0x0  }
0x14: {  	s2 =	sld [smem:$0x3F9B];
	s0 =	simm.s32 @p1 $0x1  }
0x15: {  	[smem:$0x3FB8] =	sst s0;
	s0 =	simm.s32 @!p2 $0x0  }
0x16: {  	s3 =	sld [smem:$0x3FDB];
	s0 =	simm.s32 @p2 $0x1  }
0x17: {  	s4 =	simm.s32 $0x1BF5;
	[smem:$0x3FBA] =	sst s0  }
0x18: {  	s0 =	sld [smem:$0x3F9D];
	_ =	swait.ge [sflag:s4], $0x0  }
0x19: {  	s7 =	sld [smem:$0x3F9E]  }
0x1a: {  	s8 =	sadd.s32 $0xFFFFE003, lr  }
0x1b: {  	s9 =	sadd.s32 $0xFFFFFEF7, lr;
	s5 =	simm.s32 $0xFFFFFFFF;
	p2 =	slt.u32 s8, $0xFFFFF086  }
0x1c: {  	p1 =	slt.u32 s9, $0xF7A;
	s5 =	simm.s32 @!p2 $0x0  }
0x1d: {  	s5 =	simm.s32 @p1 $0x1;
	p0 =	seq.s32 s7, s2  }
0x1e: {  	s7 =	smul.u32 @!p0 $0xF7A, s2;
	p2 =	seq.s32 @!p0 s5, $0x0  }
0x1f: {  	s9 =	smul.u32 $0xF7A, s1;
	s8 =	simm.s32 @!p0 $0x1BF5;
	p2 =	por !p2, p0  }
0x20: {  	[sflag:s8] =	ssyncset.s32 @!p0 $0xFFFFF086;
	s6 =	sadd.s32 @!p0 s3, s7;
	s7 =	simm.s32 @!p0 $0x108  }
0x21: {  	s3 =	sadd.s32 s3, s9;
	s6 =	sadd.s32 @!p0 $0x88, s6;
	s7 =	simm.s32 @p2 $0x1082  }
0x22: {  	[simem:s7], [sflag:s8] =	dma.local @!p0 [hbm:s6], $0xF7A  }
0x23: {  	s9 =	sor.u32 $0xD0000000, s2;
	s6 =	simm.s32 $0x108;
	_ =	swait.ge @!p0 [sflag:s8], $0x0  }
0x24: {  	s3 =	sadd.s32 $0x88, s3;
	s6 =	simm.s32 @!p1 $0x1082;
	[sflag:s4] =	ssyncset.s32 $0xFFFFF086  }
0x25: {  	[simem:s6], [sflag:s4] =	dma.local [hbm:s3], $0xF7A  }
0x26: {  	[smem:$0x3F9E] =	sst s1;
	(tag) =	ssettag s2;
	_ =	strace s9  }
0x27: {  	s1 =	sld [smem:$0x3FAE]  }
0x28: {  	s2 =	sld [smem:$0x3FAF]  }
0x29: {  	s4 =	sld [smem:$0x3FB1]  }
0x2a: {  	p0 =	seq.s32 s5, $0x0;
	s5 =	sld [smem:$0x3FB2]  }
0x2b: {  	s6 =	sld [smem:$0x3FB3]  }
0x2c: {  	s7 =	sld [smem:$0x3FB4]  }
0x2d: {  	s3 =	simm.s32 $0x108;
	s8 =	sld [smem:$0x3FB5]  }
0x2e: {  	s3 =	simm.s32 @!p0 $0x1082;
	s9 =	sld [smem:$0x3FB6]  }
0x2f: {  	lr =	sadd.s32 s0, s3;
	s0 =	sld [smem:$0x3FAD]  }
0x30: {  	s3 =	sld [smem:$0x3FB0]  }
0x31: {  	[smem:$0x3FB9] =	sst s10  }
0x32: {  	s10 =	sld [smem:$0x3FB7];
	_ =	sdelay $0x3  }
0x33: {  	p0 =	seq.s32 s10, $0x1;
	s10 =	sld [smem:$0x3FB9];
	_ =	sdelay $0x3  }
0x34: {  	[smem:$0x3FB9] =	sst s10  }
0x35: {  	s10 =	sld [smem:$0x3FB8];
	_ =	sdelay $0x3  }
0x36: {  	p1 =	seq.s32 s10, $0x1;
	s10 =	sld [smem:$0x3FB9];
	_ =	sdelay $0x3  }
0x37: {  	[smem:$0x3FB9] =	sst s10  }
0x38: {  	s10 =	sld [smem:$0x3FBA]  }
0x39: {  	_ = 	snop;
	(pc) =	sbr.ind lr, $3  }
0x3a: {  	_ = 	snop  }
0x3b: {  	_ = 	snop  }
0x3c: {  	p2 =	seq.s32 s10, $0x1;
	s10 =	sld [smem:$0x3FB9]  }
0x3d: {  	_ =	shalt  }
0x3e: {  	_ =	shalt  }
0x3f: {  	_ =	shalt  }
0x40: {  	_ =	shalt  }
0x41: {  	_ =	shalt  }
0x42: {  	_ =	shalt  }
0x43: {  	_ =	shalt  }
0x44: {  	_ =	shalt  }
0x45: {  	_ =	shalt  }
0x46: {  	_ =	shalt  }
0x47: {  	_ =	shalt  }
0x48: {  	_ =	shalt  }
0x49: {  	_ =	shalt  }
0x4a: {  	_ =	shalt  }
0x4b: {  	_ =	shalt  }
0x4c: {  	_ =	shalt  }
0x4d: {  	_ =	shalt  }
0x4e: {  	_ =	shalt  }
0x4f: {  	_ =	shalt  }
0x50: {  	_ =	shalt  }
0x51: {  	_ =	shalt  }
0x52: {  	_ =	shalt  }
0x53: {  	_ =	shalt  }
0x54: {  	_ =	shalt  }
0x55: {  	_ =	shalt  }
0x56: {  	_ =	shalt  }
0x57: {  	_ =	shalt  }
0x58: {  	_ =	shalt  }
0x59: {  	_ =	shalt  }
0x5a: {  	_ =	shalt  }
0x5b: {  	_ =	shalt  }
0x5c: {  	_ =	shalt  }
0x5d: {  	_ =	shalt  }
0x5e: {  	_ =	shalt  }
0x5f: {  	_ =	shalt  }
0x60: {  	_ =	shalt  }
0x61: {  	_ =	shalt  }
0x62: {  	_ =	shalt  }
0x63: {  	_ =	shalt  }
0x64: {  	_ =	shalt  }
0x65: {  	_ =	shalt  }
0x66: {  	_ =	shalt  }
0x67: {  	_ =	shalt  }
0x68: {  	_ =	shalt  }
0x69: {  	_ =	shalt  }
0x6a: {  	_ =	shalt  }
0x6b: {  	_ =	shalt  }
0x6c: {  	_ =	shalt  }
0x6d: {  	_ =	shalt  }
0x6e: {  	_ =	shalt  }
0x6f: {  	_ =	shalt  }
0x70: {  	_ =	shalt  }
0x71: {  	_ =	shalt  }
0x72: {  	_ =	shalt  }
0x73: {  	_ =	shalt  }
0x74: {  	_ =	shalt  }
0x75: {  	_ =	shalt  }
0x76: {  	_ =	shalt  }
0x77: {  	_ =	shalt  }
0x78: {  	_ =	shalt  }
0x79: {  	_ =	shalt  }
0x7a: {  	_ =	shalt  }
0x7b: {  	_ =	shalt  }
0x7c: {  	_ =	shalt  }
0x7d: {  	_ =	shalt  }
0x7e: {  	_ =	shalt  }
0x7f: {  	_ =	shalt  }
0x80: {  	_ =	shalt  }
0x81: {  	_ =	shalt  }
0x82: {  	_ =	shalt  }
0x83: {  	_ =	shalt  }
0x84: {  	_ =	shalt  }
0x85: {  	_ =	shalt  }
0x86: {  	_ =	shalt  }
0x87: {  	_ =	shalt  }
.Lfunc_end0:
.L_simem_size_0:
called_computation_lowered:
.L_overlay_start_0:
0x88: {  	s2 =	sld [smem:$0x3FD9]  }
0x89: {  	s3 =	sld [smem:$0x3FFE];
	_ =	sdelay $0x1  }
0x8a: {  	s1 =	srdreg.scid  }
0x8b: {  	s0 =	sand.u32 $0x1, s1  }
0x8c: {  	s16 =	sshll.u32 s0, $0xA;
	s2 =	sadd.s32 s3, s2  }
0x8d: {  	s2 =	sadd.s32 s2, s16  }
0x8e: {  	[smem:$0x3FC5] =	sst s2  }
0x8f: {  	_ = 	snop  }
0x90: {  	(tm) =	ssettm $0x1  }
0x91: {  	s17 =	sld [smem:$0x3FFB];
	_ =	sdelay $0x3  }
0x92: {  	_ =	strace s17  }
0x93: {  	s2 =	sld [smem:$0x3FFC];
	_ =	sdelay $0x3  }
0x94: {  	_ =	strace s2  }
0x95: {  	s2 =	sld [smem:$0x3FFD];
	_ =	sdelay $0x3  }
0x96: {  	_ =	strace s2  }
0x97: {  	_ =	strace $0x8FFFFFFF  }
0x98: {  	s18 =	sld [smem:$0x3FDB];
	_ =	sdelay $0x1  }
0x99: {  	s19 =	simm.s32 $_scs_section_size  }
0x9a: {  	s4 =	simm.s32 $_size__tile_overlayer_lowered;
	s5 =	simm.s32 $_tile_overlayer_lowered  }
0x9b: {  	s22 =	simm.s32 $0x1BFF;
	s21 =	sshll.u32 s5, $0x1;
	s2 =	sadd.s32 s19, s18  }
0x9c: {  	s6 =	simm.s32 $0x0;
	s20 =	sshll.u32 s4, $0x1;
	s4 =	sadd.s32 s21, s2  }
0x9d: {  	[timem:s6], [sflag:s22] =	dma.local [hbm:s4], s20  }
0x9e: {  	_ =	swait.ge [sflag:s22], s20  }
0x9f: {  	s3 =	ssub.s32 $0x0, s20;
	[sflag:s22] =	ssyncset.done $0x0  }
0xa0: {  	[sflag:s22] =	ssyncadd.s32 s3;
	_ =	sdelay $0x1  }
0xa1: {  	s23 =	simm.s32 $0x1B8B  }
0xa2: {  	_ =	swait.ge [sflag:s23], $0x1  }
0xa3: {  	[sflag:s23] =	ssyncset.done $0x0  }
0xa4: {  	s25 =	simm.s32 $0x1B8E;
	s24 =	sld [smem:$0x3FFE];
	[sflag:s23] =	ssyncadd.s32 $0xFFFFFFFF  }
0xa5: {  	s26 =	simm.s32 $execute0_lowered;
	[smem:$0x3FD2] =	sst s25  }
0xa6: {  	s4 =	sshll.u32 s26, $0x1;
	_ =	strace $0x80000046;
	[dreg:$0x1] =	wrdreg $0xFFFFFFFF  }
0xa7: {  	s28 =	simm.s32 $_size_execute0_lowered;
	s2 =	sadd.s32 s2, s4;
	[dreg:$0x0] =	wrdreg $0x0  }
0xa8: {  	s4 =	sshll.u32 s28, $0x1;
	[dreg:$0x2] =	wrdreg s2  }
0xa9: {  	[dreg:$0x3] =	wrdreg s4  }
0xaa: {  	[dreg:$0x4] =	wrdreg $0xC0  }
0xab: {  	_ =	task [dreg:s6], $0x5FFFF  }
0xac: {  	[dreg:$0x1] =	wrdreg $0xFFFFFFFF  }
0xad: {  	[dreg:$0x0] =	wrdreg $0x60  }
0xae: {  	[dreg:$0x2] =	wrdreg s24  }
0xaf: {  	[dreg:$0x3] =	wrdreg $0x9  }
0xb0: {  	_ =	task.clear_ibuf [dreg:s6], $0x4FFFF;
	_ =	strace $0x90000046  }
0xb1: {  	s29 =	simm.s32 $0x9;
	_ =	strace $0x80000048  }
0xb2: {  	_ =	swait.ge [sflag:s29], $0x1  }
0xb3: {  	[sflag:s29] =	ssyncadd.s32 $0xFFFFFFFF  }
0xb4: {  	_ =	strace $0x90000048  }
0xb5: {  	_ =	sfence  }
0xb6: {  	s30 =	sld [smem:$0x0];
	_ =	sdelay $0x2  }
0xb7: {  	s31 =	sshll.u32 s1, $0xD;
	s1 =	sshrl.u32 s1, $0x2  }
0xb8: {  	s3 =	sand.u32 $0x4000, s31;
	s1 =	sadd.s32 s1, s30  }
0xb9: {  	s0 =	sor.u32 s3, s0;
	s1 =	sshll.u32 s1, $0x11  }
0xba: {  	s0 =	sor.u32 s1, s0  }
0xbb: {  	s0 =	sadd.s32 $0x8F2B, s0  }
0xbc: {  	[sflag:s0] =	ssyncadd.remote.s32 $0x1  }
0xbd: {  	_ =	sfence.sel $0xFFFF  }
0xbe: {  	[dreg:$0x0] =	wrdreg $0xFFFFFFFF;
	(pc) =	sbr.abs _section_cstart, $3  }
0xbf: {  	[dreg:$0x1] =	wrdreg $0xFFFFFFFF  }
0xc0: {  	_ =	task.clear_ibuf [dreg:s6], $0x2FFFF;
	_ =	strace $0x9FFFFFFF  }
0xc1: {  	(tm) =	ssettm $0x7FFFFFFF  }
tec
execute0_lowered:
.L_overlay_start_1:
0x0: {  	(tag) =	ssettag $0x1  }
0x1: {  	s2 =	rddreg [dreg:$0x0];
	s0 =	srdreg.scid  }
0x2: {  	s1 =	stileid.u32;
	s3 =	simm.s32 $0x0;
	s9 =	simm.s32 $0x5100  }
0x3: {  	s10 =	simm.s32 $0x2;
	s11 =	simm.s32 $0x5900;
	s12 =	simm.s32 $0x6100  }
0x4: {  	s13 =	simm.s32 $0x80;
	s14 =	simm.s32 $0x900;
	s20 =	simm.s32 $0x680  }
0x5: {  	s21 =	simm.s32 $0x3D00;
	s22 =	simm.s32 $0x700;
	s23 =	simm.s32 $0x4100  }
0x6: {  	s24 =	simm.s32 $0x780;
	s25 =	simm.s32 $0x4500;
	s26 =	simm.s32 $0x800  }
0x7: {  	s28 =	simm.s32 $0x4900;
	s29 =	simm.s32 $0x880;
	s30 =	simm.s32 $0x4D00  }
0x8: {  	s31 =	simm.s32 $0x1;
	s0 =	sand.u32 $0x1, s0;
	s1 =	sshll.u32 s1, $0x1  }
0x9: {  	[smem:$0x7FF] =	sst s3;
	s4 =	sadd.s32 $0x12800, s2;
	s1 =	sor.u32 s0, s1  }
0xa: {  	s5 =	sadd.s32 $0x1E00, s2;
	s0 =	ssub.s32 $0x2, s0;
	s1 =	smul.u32 $0x900, s1  }
0xb: {  	v0 =	vlaneseq.u32;
	s6 =	sadd.s32 $0x3C00, s2;
	_ =	strace $0x80000047;
	s8 =	sshrl.u32 s0, $0x1  }
0xc: {  	v3 =	vimm.s32 $0xFFFFFFFF;
	v4 =	vand.u32 $0x7, v0;
	s0 =	ssub.s32 s0, s8;
	s7 =	sadd.s32 s1, s2;
	s15 =	sadd.s32 $0x900, s1  }
0xd: {  	v4 =	vor.u32 $0xEA60, v4;
	s8 =	smax.u32 s0, $0x1;
	v1 =	vmov s1;
	s0 =	simm.s32 $0x0;
	s7 =	sadd.s32 $0x14600, s7;
	v2 =	vmov s15  }
.LBB2_1:
0xe: {  	s1 =	simm.s32 $0x40;
	s15 =	simm.s32 $0x0  }
.LBB2_2:
0xf: {  	p0 =	sne.s32 s1, $0x23C0;
	[tilespmem:s15+$0x0] =	vst v3;
	s15 =	smov.u32 s1;
	s1 =	sadd.s32 $0x40, s1  }
.Ltmp0:
0x10: {  	(pc) =	sbr.rel @p0 .LBB2_2-.Ltmp0, $2  }
0x11: {  	_ =	sdelay $0x2  }
0x12: {  	s15 =	sshra.s32 s15, $0x2  }
0x13: {  	[tilespmem:s15+$0x0] =	vst v3;
	s1 =	simm.s32 $0x0;
	s17 =	simm.s32 $0x0;
	s16 =	simm.s32 $0x0  }
.LBB2_4:
0x14: {  	s15 =	sshll.u32 s16, $0x8  }
0x15: {  	s18 =	sadd.s32 s4, s15  }
0x16: {  	[tilespmem:s9], [sflag:$0x2] =	stream.linear.gather [hbm4b:s18+s1], $0x800, $0x38;
	[tilespmem:$0x6900] =	vst v63  }
0x17: {  	_ =	swait.ge [sflag:s10], $0x800  }
0x18: {  	[sflag:s10] =	ssyncset.done $0x0  }
0x19: {  	s19 =	sadd.s32 s5, s15;
	[sflag:s10] =	ssyncadd.s32 $0xFFFFF800  }
0x1a: {  	[tilespmem:s11], [sflag:$0x2] =	stream.linear.gather [hbm4b:s19+s1], $0x800, $0x38;
	[tilespmem:$0x6900] =	vst v63  }
0x1b: {  	_ =	swait.ge [sflag:s10], $0x800  }
0x1c: {  	[sflag:s10] =	ssyncset.done $0x0  }
0x1d: {  	s15 =	sadd.s32 s2, s15;
	[sflag:s10] =	ssyncadd.s32 $0xFFFFF800  }
0x1e: {  	[tilespmem:s12], [sflag:$0x2] =	stream.linear.gather [hbm4b:s15+s1], $0x800, $0x38;
	[tilespmem:$0x6900] =	vst v63  }
0x1f: {  	_ =	swait.ge [sflag:s10], $0x800  }
0x20: {  	[sflag:s10] =	ssyncset.done $0x0  }
0x21: {  	s18 =	simm.s32 $0x0;
	s15 =	smov.u32 s17;
	[sflag:s10] =	ssyncadd.s32 $0xFFFFF800  }
.LBB2_5:
0x22: {  	s19 =	sshra.s32 s18, $0x2  }
0x23: {  	v5 =	vld [tilespmem:s19+$0x5100]  }
0x24: {  	v6 =	vld [tilespmem:s19+$0x5900]  }
0x25: {  	v7 =	vld [tilespmem:s19+$0x6100];
	_ =	sdelay $0x3  }
0x26: {  	v5 =	vmul.u32 $0x4410, v5;
	v6 =	vshrl.u32 v6, $0x1  }
0x27: {  	v7 =	vshra.s32 v7, $0x1;
	v6 =	vmul.u32 $0x84, v6  }
0x28: {  	v5 =	vadd.s32 v7, v5  }
0x29: {  	v5 =	vadd.s32 v6, v5  }
0x2a: {  	v5 =	vadd.s32 $0x10A, v5  }
0x2b: {  	vm0 =	vge.s32 v5, v1;
	vm1 =	vlt.s32 v5, v2  }
0x2c: {  	v5 =	vsub.s32 v5, v1;
	vm0 =	vmand vm0, vm1  }
0x2d: {  	v5 =	vnsel vm0, $0x0, v5;
	_ =	sdelay $0x3  }
0x2e: {  	v6 =	vor.u32 s15, v0  }
0x2f: {  	[tilespmem:v5+s3+$0x0] =	vst.idx.msk vm0, v6  }
0x30: {  	v7 =	vld.idx.msk [tilespmem:v5+s3+$0x0], $0xffff;
	_ =	sdelay $0x4  }
0x31: {  	vm13 =	vgt.s32 v6, v7  }
0x32: {  	vm1 =	vmand vm13, vm0;
	_ =	sdelay $0x5  }
0x33: {  	[tilespmem:v5+s3+$0x0] =	vst.idx.msk vm1, v6  }
0x34: {  	v7 =	vld.idx.msk [tilespmem:v5+s3+$0x0], $0xffff;
	_ =	sdelay $0x4  }
0x35: {  	vm14 =	vgt.s32 v6, v7  }
0x36: {  	vm1 =	vmand vm0, vm14;
	_ =	sdelay $0x5  }
0x37: {  	[tilespmem:v5+s3+$0x0] =	vst.idx.msk vm1, v6  }
0x38: {  	v7 =	vld.idx.msk [tilespmem:v5+s3+$0x0], $0xffff;
	_ =	sdelay $0x4  }
0x39: {  	vm15 =	vgt.s32 v6, v7  }
0x3a: {  	vm0 =	vmand vm0, vm15  }
0x3b: {  	p0 =	sne.s32 s18, $0x1FC0  }
.Ltmp1:
0x3c: {  	_ = 	snop;
	(pc) =	sbr.rel @p0 .LBB2_5-.Ltmp1, $2  }
0x3d: {  	_ =	sdelay $0x2  }
0x3e: {  	s18 =	sadd.s32 $0x40, s18;
	s15 =	sadd.s32 $0x10, s15;
	[tilespmem:v5+s3+$0x0] =	vst.idx.msk vm0, v6  }
0x3f: {  	s16 =	sadd.s32 $0x1, s16  }
0x40: {  	p0 =	sne.s32 s16, $0x1E  }
.Ltmp2:
0x41: {  	_ = 	snop;
	(pc) =	sbr.rel @p0 .LBB2_4-.Ltmp2, $2  }
0x42: {  	_ =	sdelay $0x2  }
0x43: {  	s17 =	sadd.s32 $0x800, s17  }
0x44: {  	s1 =	simm.s32 $0x0;
	s15 =	simm.s32 $0x40  }
.LBB2_8:
0x45: {  	p0 =	sne.s32 s15, $0x23C0;
	v5 =	vld [tilespmem:s1+$0x0];
	_ =	sdelay $0x2  }
.Ltmp3:
0x46: {  	(pc) =	sbr.rel @p0 .LBB2_8-.Ltmp3, $4  }
0x47: {  	_ = 	snop  }
0x48: {  	vm0 =	vlt.s32 v5, $0x0  }
0x49: {  	v5 =	vsel vm0, v4, v5  }
0x4a: {  	[tilespmem:s1+$0x0] =	vst v5;
	s1 =	sshra.s32 s15, $0x2;
	s15 =	sadd.s32 $0x40, s15  }
0x4b: {  	v5 =	vld [tilespmem:s1+$0x0];
	_ =	sdelay $0x4  }
0x4c: {  	vm0 =	vlt.s32 v5, $0x0  }
0x4d: {  	v5 =	vsel vm0, v4, v5  }
0x4e: {  	[tilespmem:s1+$0x0] =	vst v5  }
0x4f: {  	[tilespmem:s14], [sflag:$0x1] =	stream.indirect.gather [hbm4b:s6+s13], $0x8, s3, s13, $0xb8;
	[tilespmem:$0x6900] =	vst v63  }
0x50: {  	s18 =	simm.s32 $0xD00  }
0x51: {  	[tilespmem:s18], [sflag:$0x1] =	stream.indirect.gather [hbm4b:s6+s13], $0x8, s13, s13, $0xb8;
	[tilespmem:$0x6900] =	vst v63  }
0x52: {  	s19 =	simm.s32 $0x100;
	s15 =	simm.s32 $0x1100  }
0x53: {  	[tilespmem:s15], [sflag:$0x1] =	stream.indirect.gather [hbm4b:s6+s13], $0x8, s19, s13, $0xb8;
	[tilespmem:$0x6900] =	vst v63  }
0x54: {  	s16 =	simm.s32 $0x180;
	s17 =	simm.s32 $0x1500  }
0x55: {  	[tilespmem:s17], [sflag:$0x1] =	stream.indirect.gather [hbm4b:s6+s13], $0x8, s16, s13, $0xb8;
	[tilespmem:$0x6900] =	vst v63  }
0x56: {  	s18 =	simm.s32 $0x200;
	s19 =	simm.s32 $0x1900  }
0x57: {  	[tilespmem:s19], [sflag:$0x1] =	stream.indirect.gather [hbm4b:s6+s13], $0x8, s18, s13, $0xb8;
	[tilespmem:$0x6900] =	vst v63  }
0x58: {  	s16 =	simm.s32 $0x280;
	s17 =	simm.s32 $0x1D00  }
0x59: {  	[tilespmem:s17], [sflag:$0x1] =	stream.indirect.gather [hbm4b:s6+s13], $0x8, s16, s13, $0xb8;
	[tilespmem:$0x6900] =	vst v63  }
0x5a: {  	s18 =	simm.s32 $0x300;
	s19 =	simm.s32 $0x2100  }
0x5b: {  	[tilespmem:s19], [sflag:$0x1] =	stream.indirect.gather [hbm4b:s6+s13], $0x8, s18, s13, $0xb8;
	[tilespmem:$0x6900] =	vst v63  }
0x5c: {  	s16 =	simm.s32 $0x380;
	s17 =	simm.s32 $0x2500  }
0x5d: {  	[tilespmem:s17], [sflag:$0x1] =	stream.indirect.gather [hbm4b:s6+s13], $0x8, s16, s13, $0xb8;
	[tilespmem:$0x6900] =	vst v63  }
0x5e: {  	s18 =	simm.s32 $0x400;
	s19 =	simm.s32 $0x2900  }
0x5f: {  	[tilespmem:s19], [sflag:$0x1] =	stream.indirect.gather [hbm4b:s6+s13], $0x8, s18, s13, $0xb8;
	[tilespmem:$0x6900] =	vst v63  }
0x60: {  	s16 =	simm.s32 $0x480;
	s17 =	simm.s32 $0x2D00  }
0x61: {  	[tilespmem:s17], [sflag:$0x1] =	stream.indirect.gather [hbm4b:s6+s13], $0x8, s16, s13, $0xb8;
	[tilespmem:$0x6900] =	vst v63  }
0x62: {  	s18 =	simm.s32 $0x500;
	s19 =	simm.s32 $0x3100  }
0x63: {  	[tilespmem:s19], [sflag:$0x1] =	stream.indirect.gather [hbm4b:s6+s13], $0x8, s18, s13, $0xb8;
	[tilespmem:$0x6900] =	vst v63  }
0x64: {  	s16 =	simm.s32 $0x580;
	s17 =	simm.s32 $0x3500  }
0x65: {  	[tilespmem:s17], [sflag:$0x1] =	stream.indirect.gather [hbm4b:s6+s13], $0x8, s16, s13, $0xb8;
	[tilespmem:$0x6900] =	vst v63  }
0x66: {  	s18 =	simm.s32 $0x600;
	s19 =	simm.s32 $0x3900  }
0x67: {  	[tilespmem:s19], [sflag:$0x1] =	stream.indirect.gather [hbm4b:s6+s13], $0x8, s18, s13, $0xb8;
	[tilespmem:$0x6900] =	vst v63  }
0x68: {  	_ = 	snop  }
0x69: {  	[tilespmem:s21], [sflag:$0x1] =	stream.indirect.gather [hbm4b:s6+s13], $0x8, s20, s13, $0xb8;
	[tilespmem:$0x6900] =	vst v63  }
0x6a: {  	_ = 	snop  }
0x6b: {  	[tilespmem:s23], [sflag:$0x1] =	stream.indirect.gather [hbm4b:s6+s13], $0x8, s22, s13, $0xb8;
	[tilespmem:$0x6900] =	vst v63  }
0x6c: {  	_ = 	snop  }
0x6d: {  	[tilespmem:s25], [sflag:$0x1] =	stream.indirect.gather [hbm4b:s6+s13], $0x8, s24, s13, $0xb8;
	[tilespmem:$0x6900] =	vst v63  }
0x6e: {  	_ = 	snop  }
0x6f: {  	[tilespmem:s28], [sflag:$0x1] =	stream.indirect.gather [hbm4b:s6+s13], $0x8, s26, s13, $0xb8;
	[tilespmem:$0x6900] =	vst v63  }
0x70: {  	_ = 	snop  }
0x71: {  	[tilespmem:s30], [sflag:$0x1] =	stream.indirect.gather [hbm4b:s6+s13], $0x8, s29, s13, $0xb8;
	[tilespmem:$0x6900] =	vst v63  }
0x72: {  	_ =	swait.ge [sflag:s31], $0x400  }
0x73: {  	[sflag:s31] =	ssyncset.done $0x0  }
0x74: {  	[sflag:s31] =	ssyncadd.s32 $0xFFFFFC00  }
0x75: {  	_ =	swait.ge [sflag:s31], $0x400  }
0x76: {  	[sflag:s31] =	ssyncset.done $0x0  }
0x77: {  	[sflag:s31] =	ssyncadd.s32 $0xFFFFFC00  }
0x78: {  	_ =	swait.ge [sflag:s31], $0x400  }
0x79: {  	[sflag:s31] =	ssyncset.done $0x0  }
0x7a: {  	[sflag:s31] =	ssyncadd.s32 $0xFFFFFC00  }
0x7b: {  	_ =	swait.ge [sflag:s31], $0x400  }
0x7c: {  	[sflag:s31] =	ssyncset.done $0x0  }
0x7d: {  	[sflag:s31] =	ssyncadd.s32 $0xFFFFFC00  }
0x7e: {  	_ =	swait.ge [sflag:s31], $0x400  }
0x7f: {  	[sflag:s31] =	ssyncset.done $0x0  }
0x80: {  	[sflag:s31] =	ssyncadd.s32 $0xFFFFFC00  }
0x81: {  	_ =	swait.ge [sflag:s31], $0x400  }
0x82: {  	[sflag:s31] =	ssyncset.done $0x0  }
0x83: {  	[sflag:s31] =	ssyncadd.s32 $0xFFFFFC00  }
0x84: {  	_ =	swait.ge [sflag:s31], $0x400  }
0x85: {  	[sflag:s31] =	ssyncset.done $0x0  }
0x86: {  	[sflag:s31] =	ssyncadd.s32 $0xFFFFFC00  }
0x87: {  	_ =	swait.ge [sflag:s31], $0x400  }
0x88: {  	[sflag:s31] =	ssyncset.done $0x0  }
0x89: {  	[sflag:s31] =	ssyncadd.s32 $0xFFFFFC00  }
0x8a: {  	_ =	swait.ge [sflag:s31], $0x400  }
0x8b: {  	[sflag:s31] =	ssyncset.done $0x0  }
0x8c: {  	[sflag:s31] =	ssyncadd.s32 $0xFFFFFC00  }
0x8d: {  	_ =	swait.ge [sflag:s31], $0x400  }
0x8e: {  	[sflag:s31] =	ssyncset.done $0x0  }
0x8f: {  	[sflag:s31] =	ssyncadd.s32 $0xFFFFFC00  }
0x90: {  	_ =	swait.ge [sflag:s31], $0x400  }
0x91: {  	[sflag:s31] =	ssyncset.done $0x0  }
0x92: {  	[sflag:s31] =	ssyncadd.s32 $0xFFFFFC00  }
0x93: {  	_ =	swait.ge [sflag:s31], $0x400  }
0x94: {  	[sflag:s31] =	ssyncset.done $0x0  }
0x95: {  	[sflag:s31] =	ssyncadd.s32 $0xFFFFFC00  }
0x96: {  	_ =	swait.ge [sflag:s31], $0x400  }
0x97: {  	[sflag:s31] =	ssyncset.done $0x0  }
0x98: {  	[sflag:s31] =	ssyncadd.s32 $0xFFFFFC00  }
0x99: {  	_ =	swait.ge [sflag:s31], $0x400  }
0x9a: {  	[sflag:s31] =	ssyncset.done $0x0  }
0x9b: {  	[sflag:s31] =	ssyncadd.s32 $0xFFFFFC00  }
0x9c: {  	_ =	swait.ge [sflag:s31], $0x400  }
0x9d: {  	[sflag:s31] =	ssyncset.done $0x0  }
0x9e: {  	[sflag:s31] =	ssyncadd.s32 $0xFFFFFC00  }
0x9f: {  	_ =	swait.ge [sflag:s31], $0x400  }
0xa0: {  	[sflag:s31] =	ssyncset.done $0x0  }
0xa1: {  	[sflag:s31] =	ssyncadd.s32 $0xFFFFFC00  }
0xa2: {  	_ =	swait.ge [sflag:s31], $0x400  }
0xa3: {  	[sflag:s31] =	ssyncset.done $0x0  }
0xa4: {  	[sflag:s31] =	ssyncadd.s32 $0xFFFFFC00  }
0xa5: {  	s0 =	sadd.s32 $0x1, s0;
	_ =	swait.ge [sflag:s31], $0x400  }
0xa6: {  	p0 =	sne.s32 s0, s8;
	[sflag:s31] =	ssyncset.done $0x0  }
.Ltmp4:
0xa7: {  	[sflag:s31] =	ssyncadd.s32 $0xFFFFFC00;
	(pc) =	sbr.rel @p0 .LBB2_1-.Ltmp4, $4  }
0xa8: {  	[hbm4b:s7+s3] =	stream.linear.scatter [tilespmem:s14], [sflag:$0x2], $0x4800, $0x38;
	[tilespmem:$0x6900] =	vst v63  }
0xa9: {  	_ =	swait.ge [sflag:s10], $0x4800  }
0xaa: {  	[sflag:s10] =	ssyncset.done $0x0  }
0xab: {  	[sflag:s10] =	ssyncadd.s32 $0xFFFFB800  }
0xac: {  	_ =	sfence.sel $0x180000  }
0xad: {  	[bflag:$0x0] =	sbarrier.arrive $0xFFFF  }
0xae: {  	_ =	strace $0x90000047  }
0xaf: {  	s0 =	stileid.u32;
	[bflag:$0x2] =	sbarrier.arrive $0xFFFF  }
0xb0: {  	p0 =	sne.s32 s0, $0x0;
	s0 =	rddreg [dreg:$0x1]  }
0xb1: {  	s0 =	sadd.s32 @!p0 $0x100000, s0  }
0xb2: {  	[sflag:s0] =	ssyncadd.tile.s32 @!p0 $0x1;
	_ =	shalt  }
.Lfunc_end2:
_tile_overlayer_lowered:
.L_overlay_start_2:
0xb3: {  	(tag) =	ssettag $0x2  }
0xb4: {  	s0 =	rddreg [dreg:$0x0];
	s2 =	stileid.u32  }
0xb5: {  	s1 =	rddreg [dreg:$0x1];
	p0 =	sne.s32 s2, $0x0  }
0xb6: {  	s3 =	rddreg [dreg:$0x2];
	[bflag:$0x3] =	sbarrier.arrive $0xFFFF;
	s2 =	simm.s32 @!p0 $0x1C02  }
0xb7: {  	[timem:s3], [sflag:s2] =	dma.local @!p0 [hbm:s0], s1  }
0xb8: {  	s0 =	simm.s32 @!p0 $0x2  }
0xb9: {  	_ =	swait.ge @!p0 [sflag:s0], s1  }
0xba: {  	s1 =	ssub.s32 @!p0 $0x0, s1;
	[sflag:s0] =	ssyncset.done @!p0 $0x0  }
0xbb: {  	[sflag:s0] =	ssyncadd.s32 @!p0 s1  }
0xbc: {  	[bflag:$0x3] =	sbarrier.arrive $0xFFFF  }
0xbd: {  	_ =	shalt  }

// kernel: kernel.8.cloned.1.call-start
scs
__scs_entry_jumppad:
0x0: {  	(pc) =	sbr.rel $0x88, $3  }
0x1: {  	(tag) =	ssettag $0x0;
	lr =	simm.s32 $0x1  }
0x2: {  	[smem:$0x3F9E] =	sst lr;
	_ =	strace $0xD0000000  }
0x3: {  	_ = 	snop  }
0x4: {  	_ = 	snop  }
0x5: {  	_ = 	snop  }
0x6: {  	_ = 	snop  }
0x7: {  	_ = 	snop  }
__scs_overlays_trampoline_lowered:
0x8: {  	[smem:$0x3FAD] =	sst s0  }
0x9: {  	[smem:$0x3FAE] =	sst s1  }
0xa: {  	[smem:$0x3FAF] =	sst s2  }
0xb: {  	[smem:$0x3FB0] =	sst s3  }
0xc: {  	[smem:$0x3FB1] =	sst s4  }
0xd: {  	[smem:$0x3FB2] =	sst s5  }
0xe: {  	[smem:$0x3FB3] =	sst s6  }
0xf: {  	[smem:$0x3FB4] =	sst s7  }
0x10: {  	[smem:$0x3FB5] =	sst s8  }
0x11: {  	[smem:$0x3FB6] =	sst s9;
	s0 =	simm.s32 @!p0 $0x0  }
0x12: {  	s1 =	sld [smem:$0x3F9C];
	s0 =	simm.s32 @p0 $0x1  }
0x13: {  	[smem:$0x3FB7] =	sst s0;
	s0 =	simm.s32 @!p1 $0x0  }
0x14: {  	s2 =	sld [smem:$0x3F9B];
	s0 =	simm.s32 @p1 $0x1  }
0x15: {  	[smem:$0x3FB8] =	sst s0;
	s0 =	simm.s32 @!p2 $0x0  }
0x16: {  	s3 =	sld [smem:$0x3FDB];
	s0 =	simm.s32 @p2 $0x1  }
0x17: {  	s4 =	simm.s32 $0x1BF5;
	[smem:$0x3FBA] =	sst s0  }
0x18: {  	s0 =	sld [smem:$0x3F9D];
	_ =	swait.ge [sflag:s4], $0x0  }
0x19: {  	s7 =	sld [smem:$0x3F9E]  }
0x1a: {  	s8 =	sadd.s32 $0xFFFFE003, lr  }
0x1b: {  	s9 =	sadd.s32 $0xFFFFFEF7, lr;
	s5 =	simm.s32 $0xFFFFFFFF;
	p2 =	slt.u32 s8, $0xFFFFF086  }
0x1c: {  	p1 =	slt.u32 s9, $0xF7A;
	s5 =	simm.s32 @!p2 $0x0  }
0x1d: {  	s5 =	simm.s32 @p1 $0x1;
	p0 =	seq.s32 s7, s2  }
0x1e: {  	s7 =	smul.u32 @!p0 $0xF7A, s2;
	p2 =	seq.s32 @!p0 s5, $0x0  }
0x1f: {  	s9 =	smul.u32 $0xF7A, s1;
	s8 =	simm.s32 @!p0 $0x1BF5;
	p2 =	por !p2, p0  }
0x20: {  	[sflag:s8] =	ssyncset.s32 @!p0 $0xFFFFF086;
	s6 =	sadd.s32 @!p0 s3, s7;
	s7 =	simm.s32 @!p0 $0x108  }
0x21: {  	s3 =	sadd.s32 s3, s9;
	s6 =	sadd.s32 @!p0 $0x88, s6;
	s7 =	simm.s32 @p2 $0x1082  }
0x22: {  	[simem:s7], [sflag:s8] =	dma.local @!p0 [hbm:s6], $0xF7A  }
0x23: {  	s9 =	sor.u32 $0xD0000000, s2;
	s6 =	simm.s32 $0x108;
	_ =	swait.ge @!p0 [sflag:s8], $0x0  }
0x24: {  	s3 =	sadd.s32 $0x88, s3;
	s6 =	simm.s32 @!p1 $0x1082;
	[sflag:s4] =	ssyncset.s32 $0xFFFFF086  }
0x25: {  	[simem:s6], [sflag:s4] =	dma.local [hbm:s3], $0xF7A  }
0x26: {  	[smem:$0x3F9E] =	sst s1;
	(tag) =	ssettag s2;
	_ =	strace s9  }
0x27: {  	s1 =	sld [smem:$0x3FAE]  }
0x28: {  	s2 =	sld [smem:$0x3FAF]  }
0x29: {  	s4 =	sld [smem:$0x3FB1]  }
0x2a: {  	p0 =	seq.s32 s5, $0x0;
	s5 =	sld [smem:$0x3FB2]  }
0x2b: {  	s6 =	sld [smem:$0x3FB3]  }
0x2c: {  	s7 =	sld [smem:$0x3FB4]  }
0x2d: {  	s3 =	simm.s32 $0x108;
	s8 =	sld [smem:$0x3FB5]  }
0x2e: {  	s3 =	simm.s32 @!p0 $0x1082;
	s9 =	sld [smem:$0x3FB6]  }
0x2f: {  	lr =	sadd.s32 s0, s3;
	s0 =	sld [smem:$0x3FAD]  }
0x30: {  	s3 =	sld [smem:$0x3FB0]  }
0x31: {  	[smem:$0x3FB9] =	sst s10  }
0x32: {  	s10 =	sld [smem:$0x3FB7];
	_ =	sdelay $0x3  }
0x33: {  	p0 =	seq.s32 s10, $0x1;
	s10 =	sld [smem:$0x3FB9];
	_ =	sdelay $0x3  }
0x34: {  	[smem:$0x3FB9] =	sst s10  }
0x35: {  	s10 =	sld [smem:$0x3FB8];
	_ =	sdelay $0x3  }
0x36: {  	p1 =	seq.s32 s10, $0x1;
	s10 =	sld [smem:$0x3FB9];
	_ =	sdelay $0x3  }
0x37: {  	[smem:$0x3FB9] =	sst s10  }
0x38: {  	s10 =	sld [smem:$0x3FBA]  }
0x39: {  	_ = 	snop;
	(pc) =	sbr.ind lr, $3  }
0x3a: {  	_ = 	snop  }
0x3b: {  	_ = 	snop  }
0x3c: {  	p2 =	seq.s32 s10, $0x1;
	s10 =	sld [smem:$0x3FB9]  }
0x3d: {  	_ =	shalt  }
0x3e: {  	_ =	shalt  }
0x3f: {  	_ =	shalt  }
0x40: {  	_ =	shalt  }
0x41: {  	_ =	shalt  }
0x42: {  	_ =	shalt  }
0x43: {  	_ =	shalt  }
0x44: {  	_ =	shalt  }
0x45: {  	_ =	shalt  }
0x46: {  	_ =	shalt  }
0x47: {  	_ =	shalt  }
0x48: {  	_ =	shalt  }
0x49: {  	_ =	shalt  }
0x4a: {  	_ =	shalt  }
0x4b: {  	_ =	shalt  }
0x4c: {  	_ =	shalt  }
0x4d: {  	_ =	shalt  }
0x4e: {  	_ =	shalt  }
0x4f: {  	_ =	shalt  }
0x50: {  	_ =	shalt  }
0x51: {  	_ =	shalt  }
0x52: {  	_ =	shalt  }
0x53: {  	_ =	shalt  }
0x54: {  	_ =	shalt  }
0x55: {  	_ =	shalt  }
0x56: {  	_ =	shalt  }
0x57: {  	_ =	shalt  }
0x58: {  	_ =	shalt  }
0x59: {  	_ =	shalt  }
0x5a: {  	_ =	shalt  }
0x5b: {  	_ =	shalt  }
0x5c: {  	_ =	shalt  }
0x5d: {  	_ =	shalt  }
0x5e: {  	_ =	shalt  }
0x5f: {  	_ =	shalt  }
0x60: {  	_ =	shalt  }
0x61: {  	_ =	shalt  }
0x62: {  	_ =	shalt  }
0x63: {  	_ =	shalt  }
0x64: {  	_ =	shalt  }
0x65: {  	_ =	shalt  }
0x66: {  	_ =	shalt  }
0x67: {  	_ =	shalt  }
0x68: {  	_ =	shalt  }
0x69: {  	_ =	shalt  }
0x6a: {  	_ =	shalt  }
0x6b: {  	_ =	shalt  }
0x6c: {  	_ =	shalt  }
0x6d: {  	_ =	shalt  }
0x6e: {  	_ =	shalt  }
0x6f: {  	_ =	shalt  }
0x70: {  	_ =	shalt  }
0x71: {  	_ =	shalt  }
0x72: {  	_ =	shalt  }
0x73: {  	_ =	shalt  }
0x74: {  	_ =	shalt  }
0x75: {  	_ =	shalt  }
0x76: {  	_ =	shalt  }
0x77: {  	_ =	shalt  }
0x78: {  	_ =	shalt  }
0x79: {  	_ =	shalt  }
0x7a: {  	_ =	shalt  }
0x7b: {  	_ =	shalt  }
0x7c: {  	_ =	shalt  }
0x7d: {  	_ =	shalt  }
0x7e: {  	_ =	shalt  }
0x7f: {  	_ =	shalt  }
0x80: {  	_ =	shalt  }
0x81: {  	_ =	shalt  }
0x82: {  	_ =	shalt  }
0x83: {  	_ =	shalt  }
0x84: {  	_ =	shalt  }
0x85: {  	_ =	shalt  }
0x86: {  	_ =	shalt  }
0x87: {  	_ =	shalt  }
.Lfunc_end0:
.L_simem_size_0:
called_computation.1_lowered:
.L_overlay_start_0:
0x88: {  	s2 =	sld [smem:$0x3FD9]  }
0x89: {  	s3 =	sld [smem:$0x3FFE];
	_ =	sdelay $0x1  }
0x8a: {  	s1 =	srdreg.scid  }
0x8b: {  	s0 =	sand.u32 $0x1, s1  }
0x8c: {  	s17 =	sshll.u32 s0, $0xA;
	s2 =	sadd.s32 s3, s2  }
0x8d: {  	s2 =	sadd.s32 s2, s17  }
0x8e: {  	[smem:$0x3FC5] =	sst s2  }
0x8f: {  	_ = 	snop  }
0x90: {  	s2 =	sld [smem:$0x3FD0];
	(tm) =	ssettm $0x1  }
0x91: {  	s18 =	sld [smem:$0x3FFB];
	_ =	sdelay $0x3  }
0x92: {  	_ =	strace s18  }
0x93: {  	s3 =	sld [smem:$0x3FFC];
	_ =	sdelay $0x3  }
0x94: {  	_ =	strace s3  }
0x95: {  	s3 =	sld [smem:$0x3FFD];
	_ =	sdelay $0x3  }
0x96: {  	_ =	strace s3  }
0x97: {  	_ =	strace $0x8FFFFFFF  }
0x98: {  	s19 =	sld [smem:$0x3FDB];
	_ =	sdelay $0x1  }
0x99: {  	s4 =	simm.s32 $_scs_section_size  }
0x9a: {  	s5 =	simm.s32 $_size__tile_overlayer_lowered;
	s6 =	simm.s32 $_tile_overlayer_lowered  }
0x9b: {  	s22 =	simm.s32 $0x1BFF;
	s21 =	sshll.u32 s6, $0x1;
	s3 =	sadd.s32 s4, s19  }
0x9c: {  	s7 =	simm.s32 $0x0;
	s20 =	sshll.u32 s5, $0x1;
	s5 =	sadd.s32 s21, s3  }
0x9d: {  	[timem:s7], [sflag:s22] =	dma.local [hbm:s5], s20  }
0x9e: {  	_ =	swait.ge [sflag:s22], s20  }
0x9f: {  	s4 =	ssub.s32 $0x0, s20;
	[sflag:s22] =	ssyncset.done $0x0  }
0xa0: {  	[sflag:s22] =	ssyncadd.s32 s4;
	_ =	sdelay $0x1  }
0xa1: {  	s23 =	simm.s32 $0x1B8B  }
0xa2: {  	_ =	swait.ge [sflag:s23], $0x1  }
0xa3: {  	[sflag:s23] =	ssyncset.done $0x0  }
0xa4: {  	s25 =	simm.s32 $0x1B8E;
	s24 =	sld [smem:$0x3FFE];
	[sflag:s23] =	ssyncadd.s32 $0xFFFFFFFF  }
0xa5: {  	s26 =	simm.s32 $execute0_lowered;
	[smem:$0x3FD2] =	sst s25  }
0xa6: {  	s5 =	sshll.u32 s26, $0x1;
	_ =	strace $0x80000049;
	[dreg:$0x1] =	wrdreg $0xFFFFFFFF  }
0xa7: {  	s28 =	simm.s32 $_size_execute0_lowered;
	s3 =	sadd.s32 s3, s5;
	[dreg:$0x0] =	wrdreg $0x0  }
0xa8: {  	s5 =	sshll.u32 s28, $0x1;
	[dreg:$0x2] =	wrdreg s3  }
0xa9: {  	[dreg:$0x3] =	wrdreg s5  }
0xaa: {  	[dreg:$0x4] =	wrdreg $0xC0  }
0xab: {  	_ =	task [dreg:s7], $0x5FFFF  }
0xac: {  	[dreg:$0x1] =	wrdreg $0xFFFFFFFF  }
0xad: {  	[dreg:$0x0] =	wrdreg $0x60  }
0xae: {  	[dreg:$0x2] =	wrdreg s2  }
0xaf: {  	[dreg:$0x3] =	wrdreg s24  }
0xb0: {  	[dreg:$0x4] =	wrdreg $0x9  }
0xb1: {  	_ =	task.clear_ibuf [dreg:s7], $0x5FFFF;
	_ =	strace $0x90000049  }
0xb2: {  	s29 =	simm.s32 $0x9;
	_ =	strace $0x8000004B  }
0xb3: {  	_ =	swait.ge [sflag:s29], $0x1  }
0xb4: {  	[sflag:s29] =	ssyncadd.s32 $0xFFFFFFFF  }
0xb5: {  	_ =	strace $0x9000004B  }
0xb6: {  	_ =	sfence  }
0xb7: {  	s30 =	sld [smem:$0x0];
	_ =	sdelay $0x2  }
0xb8: {  	s31 =	sshll.u32 s1, $0xD;
	s1 =	sshrl.u32 s1, $0x2  }
0xb9: {  	s3 =	sand.u32 $0x4000, s31;
	s1 =	sadd.s32 s1, s30  }
0xba: {  	s0 =	sor.u32 s3, s0;
	s1 =	sshll.u32 s1, $0x11  }
0xbb: {  	s0 =	sor.u32 s1, s0  }
0xbc: {  	s0 =	sadd.s32 $0x8F2B, s0  }
0xbd: {  	[sflag:s0] =	ssyncadd.remote.s32 $0x1  }
0xbe: {  	_ =	sfence.sel $0xFFFF  }
0xbf: {  	[dreg:$0x0] =	wrdreg $0xFFFFFFFF;
	(pc) =	sbr.abs _section_cstart, $3  }
0xc0: {  	[dreg:$0x1] =	wrdreg $0xFFFFFFFF  }
0xc1: {  	_ =	task.clear_ibuf [dreg:s7], $0x2FFFF;
	_ =	strace $0x9FFFFFFF  }
0xc2: {  	(tm) =	ssettm $0x7FFFFFFF  }
0xc3: {  	_ =	shalt  }
tec
execute0_lowered:
.L_overlay_start_1:
0x0: {  	(tag) =	ssettag $0x1  }
0x1: {  	s5 =	rddreg [dreg:$0x0];
	s1 =	srdreg.scid  }
0x2: {  	s0 =	stileid.u32;
	s2 =	rddreg [dreg:$0x1];
	s3 =	simm.s32 $0x0  }
0x3: {  	s11 =	simm.s32 $0x10000;
	s12 =	simm.s32 $0x1;
	s13 =	simm.s32 $0x11880  }
0x4: {  	s14 =	simm.s32 $0x13100;
	s4 =	sand.u32 $0x1, s1;
	s6 =	sshll.u32 s0, $0x1  }
0x5: {  	s15 =	simm.s32 $0x14980;
	s16 =	simm.s32 $0x0;
	s6 =	sor.u32 s4, s6  }
0x6: {  	[smem:$0x7FF] =	sst s3;
	s7 =	ssub.s32 $0x2, s4;
	s6 =	smul.u32 $0x30E, s6  }
0x7: {  	s1 =	rddreg [dreg:$0x2];
	_ =	strace $0x8000004A;
	s8 =	sshrl.u32 s7, $0x1  }
0x8: {  	s4 =	sadd.s32 $0x2000, s2;
	s10 =	ssub.s32 s7, s8;
	s9 =	sadd.s32 s6, s2  }
0x9: {  	s5 =	sadd.s32 s5, s6;
	s10 =	smax.u32 s10, $0x1;
	s6 =	sadd.s32 $0x26600, s9  }
0xa: {  	s7 =	sadd.s32 $0x2C800, s9;
	s8 =	sadd.s32 $0x4000, s9;
	s9 =	sadd.s32 $0xA200, s9  }
.LBB2_1:
0xb: {  	[tilespmem:s11], [sflag:$0x1] =	stream.linear.gather [hbm4b:s5+s3], $0x1870, $0x38;
	[tilespmem:$0x16200] =	vst v63  }
0xc: {  	_ =	swait.ge [sflag:s12], $0x1870  }
0xd: {  	[sflag:s12] =	ssyncset.done $0x0  }
0xe: {  	[sflag:s12] =	ssyncadd.s32 $0xFFFFE790  }
0xf: {  	[tilespmem:s13], [sflag:$0x1] =	stream.linear.gather [hbm4b:s6+s3], $0x1870, $0x38;
	[tilespmem:$0x16200] =	vst v63  }
0x10: {  	_ =	swait.ge [sflag:s12], $0x1870  }
0x11: {  	[sflag:s12] =	ssyncset.done $0x0  }
0x12: {  	[sflag:s12] =	ssyncadd.s32 $0xFFFFE790  }
0x13: {  	[tilespmem:s14], [sflag:$0x1] =	stream.linear.gather [hbm4b:s7+s3], $0x1870, $0x38;
	[tilespmem:$0x16200] =	vst v63  }
0x14: {  	_ =	swait.ge [sflag:s12], $0x1870  }
0x15: {  	[sflag:s12] =	ssyncset.done $0x0  }
0x16: {  	[sflag:s12] =	ssyncadd.s32 $0xFFFFE790  }
0x17: {  	[tilespmem:s3], [sflag:$0x1] =	stream.linear.gather [hbm4b:s2+s3], $0x10000, $0x38;
	[tilespmem:$0x16200] =	vst v63  }
0x18: {  	_ =	swait.ge [sflag:s12], $0x10000  }
0x19: {  	[sflag:s12] =	ssyncset.done $0x0  }
0x1a: {  	s18 =	simm.s32 $0x0;
	[sflag:s12] =	ssyncadd.s32 $0xFFFF0000  }
0x1b: {  	v0 =	vld [tilespmem:s18+$0x11880]  }
0x1c: {  	v1 =	vld [tilespmem:s18+$0x13100]  }
0x1d: {  	v2 =	vld [tilespmem:s18+$0x10000];
	_ =	sdelay $0x2  }
0x1e: {  	v0 =	vmul.u32 $0xA0, v0  }
0x1f: {  	s17 =	simm.s32 $0x10;
	v1 =	vmul.u32 $0x5, v1  }
0x20: {  	v3 =	vld [tilespmem:s17+$0x11880];
	v2 =	vshll.u32 v2, $0xE;
	v0 =	vand.u32 $0xFFFFFF80, v0  }
0x21: {  	v4 =	vld [tilespmem:s17+$0x13100];
	v5 =	vshra.s32 v1, $0x2;
	v0 =	vadd.s32 v2, v0  }
0x22: {  	v1 =	vld [tilespmem:s17+$0x10000];
	v2 =	vadd.s32 v5, v0;
	_ =	sdelay $0x2  }
0x23: {  	s19 =	simm.s32 $0x20;
	v3 =	vmul.u32 $0xA0, v3  }
0x24: {  	s20 =	simm.s32 $0xC0;
	v4 =	vmul.u32 $0x5, v4;
	v0 =	vld [tilespmem:s19+$0x11880]  }
.LBB2_2:
0x25: {  	p0 =	sne.s32 s20, $0x6180;
	v1 =	vshll.u32 v1, $0xE;
	v3 =	vand.u32 $0xFFFFFF80, v3;
	v5 =	vld.idx.msk [tilespmem:v2+s3+$0x0], $0xffff;
	s21 =	smov.u32 s19  }
0x26: {  	v6 =	vld [tilespmem:s21+$0x13100];
	v2 =	vshra.s32 v4, $0x2;
	v3 =	vadd.s32 v1, v3  }
.Ltmp0:
0x27: {  	v1 =	vld [tilespmem:s21+$0x10000];
	v2 =	vadd.s32 v2, v3;
	(pc) =	sbr.rel @p0 .LBB2_2-.Ltmp0, $3  }
0x28: {  	_ =	sdelay $0x1  }
0x29: {  	s19 =	sshra.s32 s20, $0x2;
	v3 =	vmul.u32 $0xA0, v0  }
0x2a: {  	s20 =	sadd.s32 $0x40, s20;
	v0 =	vld [tilespmem:s19+$0x11880];
	v4 =	vmul.u32 $0x5, v6;
	[tilespmem:s18+$0x14980] =	vst v5;
	s18 =	smov.u32 s17;
	s17 =	smov.u32 s21  }
0x2b: {  	_ =	sdelay $0x3  }
0x2c: {  	v2 =	vld.idx.msk [tilespmem:v2+s3+$0x0], $0xffff  }
0x2d: {  	v1 =	vshll.u32 v1, $0xE;
	v3 =	vand.u32 $0xFFFFFF80, v3;
	v5 =	vld [tilespmem:s19+$0x13100]  }
0x2e: {  	v4 =	vshra.s32 v4, $0x2;
	v1 =	vadd.s32 v1, v3;
	v3 =	vld [tilespmem:s19+$0x10000]  }
0x2f: {  	v1 =	vadd.s32 v4, v1;
	_ =	sdelay $0x1  }
0x30: {  	v0 =	vmul.u32 $0xA0, v0  }
0x31: {  	v4 =	vmul.u32 $0x5, v5  }
0x32: {  	[tilespmem:s18+$0x14980] =	vst v2;
	v2 =	vshll.u32 v3, $0xE;
	v0 =	vand.u32 $0xFFFFFF80, v0  }
0x33: {  	v1 =	vld.idx.msk [tilespmem:v1+s3+$0x0], $0xffff;
	v3 =	vshra.s32 v4, $0x2;
	v0 =	vadd.s32 v2, v0  }
0x34: {  	v0 =	vadd.s32 v3, v0;
	_ =	sdelay $0x3  }
0x35: {  	[tilespmem:s17+$0x14980] =	vst v1  }
0x36: {  	v0 =	vld.idx.msk [tilespmem:v0+s3+$0x0], $0xffff;
	_ =	sdelay $0x4  }
0x37: {  	s31 =	simm.s32 $0x0;
	[tilespmem:s19+$0x14980] =	vst v0  }
0x38: {  	[hbm4b:s8+s31] =	stream.linear.scatter [tilespmem:s15], [sflag:$0x1], $0x1870, $0x38;
	[tilespmem:$0x16200] =	vst v63  }
0x39: {  	_ =	swait.ge [sflag:s12], $0x1870  }
0x3a: {  	[sflag:s12] =	ssyncset.done $0x0  }
0x3b: {  	[sflag:s12] =	ssyncadd.s32 $0xFFFFE790  }
0x3c: {  	[tilespmem:s31], [sflag:$0x1] =	stream.linear.gather [hbm4b:s4+s31], $0x10000, $0x38;
	[tilespmem:$0x16200] =	vst v63  }
0x3d: {  	_ =	swait.ge [sflag:s12], $0x10000  }
0x3e: {  	[sflag:s12] =	ssyncset.done $0x0  }
0x3f: {  	s18 =	simm.s32 $0x0;
	[sflag:s12] =	ssyncadd.s32 $0xFFFF0000  }
0x40: {  	v0 =	vld [tilespmem:s18+$0x11880]  }
0x41: {  	v1 =	vld [tilespmem:s18+$0x13100]  }
0x42: {  	v2 =	vld [tilespmem:s18+$0x10000];
	_ =	sdelay $0x2  }
0x43: {  	v0 =	vmul.u32 $0xA0, v0  }
0x44: {  	s17 =	simm.s32 $0x10;
	v1 =	vmul.u32 $0x5, v1  }
0x45: {  	v3 =	vld [tilespmem:s17+$0x11880];
	v2 =	vshll.u32 v2, $0xE;
	v0 =	vand.u32 $0xFFFFFF80, v0  }
0x46: {  	v4 =	vld [tilespmem:s17+$0x13100];
	v5 =	vshra.s32 v1, $0x2;
	v0 =	vadd.s32 v2, v0  }
0x47: {  	v1 =	vld [tilespmem:s17+$0x10000];
	v2 =	vadd.s32 v5, v0;
	_ =	sdelay $0x2  }
0x48: {  	s19 =	simm.s32 $0x20;
	v3 =	vmul.u32 $0xA0, v3  }
0x49: {  	s20 =	simm.s32 $0xC0;
	v4 =	vmul.u32 $0x5, v4;
	v0 =	vld [tilespmem:s19+$0x11880]  }
.LBB2_4:
0x4a: {  	p0 =	sne.s32 s20, $0x6180;
	v1 =	vshll.u32 v1, $0xE;
	v3 =	vand.u32 $0xFFFFFF80, v3;
	v5 =	vld.idx.msk [tilespmem:v2+s3+$0x0], $0xffff;
	s21 =	smov.u32 s19  }
0x4b: {  	v6 =	vld [tilespmem:s21+$0x13100];
	v2 =	vshra.s32 v4, $0x2;
	v3 =	vadd.s32 v1, v3  }
.Ltmp1:
0x4c: {  	v1 =	vld [tilespmem:s21+$0x10000];
	v2 =	vadd.s32 v2, v3;
	(pc) =	sbr.rel @p0 .LBB2_4-.Ltmp1, $3  }
0x4d: {  	_ =	sdelay $0x1  }
0x4e: {  	s19 =	sshra.s32 s20, $0x2;
	v3 =	vmul.u32 $0xA0, v0  }
0x4f: {  	s20 =	sadd.s32 $0x40, s20;
	v0 =	vld [tilespmem:s19+$0x11880];
	v4 =	vmul.u32 $0x5, v6;
	[tilespmem:s18+$0x14980] =	vst v5;
	s18 =	smov.u32 s17;
	s17 =	smov.u32 s21  }
0x50: {  	_ =	sdelay $0x3  }
0x51: {  	v2 =	vld.idx.msk [tilespmem:v2+s3+$0x0], $0xffff  }
0x52: {  	v1 =	vshll.u32 v1, $0xE;
	v3 =	vand.u32 $0xFFFFFF80, v3;
	v5 =	vld [tilespmem:s19+$0x13100]  }
0x53: {  	v60 =	vld [tilespmem:s19+$0x10000];
	v4 =	vshra.s32 v4, $0x2;
	v1 =	vadd.s32 v1, v3  }
0x54: {  	v1 =	vadd.s32 v4, v1;
	_ =	sdelay $0x1  }
0x55: {  	v0 =	vmul.u32 $0xA0, v0  }
0x56: {  	v61 =	vmul.u32 $0x5, v5  }
0x57: {  	[tilespmem:s18+$0x14980] =	vst v2;
	v62 =	vshll.u32 v60, $0xE;
	v0 =	vand.u32 $0xFFFFFF80, v0  }
0x58: {  	v1 =	vld.idx.msk [tilespmem:v1+s3+$0x0], $0xffff;
	v63 =	vshra.s32 v61, $0x2;
	v0 =	vadd.s32 v62, v0  }
0x59: {  	v0 =	vadd.s32 v63, v0;
	_ =	sdelay $0x3  }
0x5a: {  	[tilespmem:s17+$0x14980] =	vst v1  }
0x5b: {  	v0 =	vld.idx.msk [tilespmem:v0+s3+$0x0], $0xffff;
	_ =	sdelay $0x2  }
0x5c: {  	s16 =	sadd.s32 $0x1, s16  }
0x5d: {  	p0 =	sne.s32 s16, s10  }
.Ltmp2:
0x5e: {  	[tilespmem:s19+$0x14980] =	vst v0;
	(pc) =	sbr.rel @p0 .LBB2_1-.Ltmp2, $4  }
0x5f: {  	[hbm4b:s9+s3] =	stream.linear.scatter [tilespmem:s15], [sflag:$0x1], $0x1870, $0x38;
	[tilespmem:$0x16200] =	vst v63  }
0x60: {  	_ =	swait.ge [sflag:s12], $0x1870  }
0x61: {  	[sflag:s12] =	ssyncset.done $0x0  }
0x62: {  	[sflag:s12] =	ssyncadd.s32 $0xFFFFE790  }
0x63: {  	_ =	sfence.sel $0x180000  }
0x64: {  	[bflag:$0x0] =	sbarrier.arrive $0xFFFF  }
0x65: {  	p0 =	sne.s32 s0, $0x0;
	_ =	strace $0x9000004A  }
0x66: {  	s0 =	sadd.s32 @!p0 $0x100000, s1;
	[bflag:$0x2] =	sbarrier.arrive $0xFFFF  }
0x67: {  	[sflag:s0] =	ssyncadd.tile.s32 @!p0 $0x1;
	_ =	shalt  }
.Lfunc_end2:
_tile_overlayer_lowered:
.L_overlay_start_2:
0x68: {  	(tag) =	ssettag $0x2  }
0x69: {  	s0 =	rddreg [dreg:$0x0];
	s2 =	stileid.u32  }
0x6a: {  	s1 =	rddreg [dreg:$0x1];
	p0 =	sne.s32 s2, $0x0  }
0x6b: {  	s3 =	rddreg [dreg:$0x2];
	[bflag:$0x3] =	sbarrier.arrive $0xFFFF;
	s2 =	simm.s32 @!p0 $0x1C01  }
0x6c: {  	[timem:s3], [sflag:s2] =	dma.local @!p0 [hbm:s0], s1  }
0x6d: {  	s0 =	simm.s32 @!p0 $0x1  }
0x6e: {  	_ =	swait.ge @!p0 [sflag:s0], s1  }
0x6f: {  	s1 =	ssub.s32 @!p0 $0x0, s1;
	[sflag:s0] =	ssyncset.done @!p0 $0x0  }
0x70: {  	[sflag:s0] =	ssyncadd.s32 @!p0 s1  }
0x71: {  	[bflag:$0x3] =	sbarrier.arrive $0xFFFF  }
0x72: {  	_ =	shalt  }

</sc_bundles>
